<compile_context>
chip_gen: v7x
topology: tpu7x:2x2x1
jax: 0.10.2.dev20260603
libtpu: 0.0.44.dev20260713+nightly
codegen_flags: <defaults>
</compile_context>

<pallas_src>
import functools

import jax
import jax.numpy as jnp
import numpy as np
from jax import lax
from jax.experimental import pallas as pl
from jax.experimental.pallas import tpu as pltpu
from jax.experimental.pallas import tpu_sc as plsc

N_SEG = 16
ROW = 2048
LANES = 16
NITER = ROW // LANES
NC = 2
NS = 16
SEG_PER_CORE = N_SEG // NC

def _deg2dist(deg):
    return 2.0 * np.sin(np.radians(np.asarray(deg, dtype=np.float64)) / 2.0)

_T_MIN = np.float32(_deg2dist(10.0 / 3600.0) ** 2)
_T_MAX = np.float32(_deg2dist(1.0) ** 2)
_LOG_RANGE = np.float32(np.log(np.float64(_T_MAX) / np.float64(_T_MIN)))
_SIGMA = np.float32(np.e)
_INV_SIGMA = np.float32(1.0) / _SIGMA
_COEF = np.float32(np.float32(1.0 / np.sqrt(2.0 * np.pi)) / _SIGMA)
_LN2 = np.float32(0.693147180559945309)
_LOG_1EM30 = np.float32(np.log(1e-30))


def _logf(x):
    ix = lax.bitcast_convert_type(x, jnp.int32)
    ix = ix + (0x3F800000 - 0x3F3504F3)
    k = lax.shift_right_arithmetic(ix, 23) - 127
    mx = (ix & 0x007FFFFF) + 0x3F3504F3
    m = lax.bitcast_convert_type(mx, jnp.float32)
    f = m - 1.0
    s = f / (2.0 + f)
    z = s * s
    w = z * z
    t1 = w * (np.float32(0.40000972152) + w * np.float32(0.24279078841))
    t2 = z * (np.float32(0.66666662693) + w * np.float32(0.28498786688))
    r = t2 + t1
    hfsq = np.float32(0.5) * f * f
    return f - (hfsq - s * (hfsq + r)) + k.astype(jnp.float32) * _LN2


@functools.partial(
    pl.kernel,
    out_type=(
        jax.ShapeDtypeStruct((N_SEG,), jnp.float32),
        jax.ShapeDtypeStruct((N_SEG,), jnp.float32),
        jax.ShapeDtypeStruct((N_SEG,), jnp.float32),
    ),
    mesh=plsc.VectorSubcoreMesh(
        core_axis_name="c", subcore_axis_name="s", num_cores=NC, num_subcores=NS
    ),
    compiler_params=pltpu.CompilerParams(needs_layout_passes=False),
    scratch_types=[
        pltpu.VMEM((ROW,), jnp.float32),
        pltpu.VMEM((ROW,), jnp.float32),
        pltpu.VMEM((ROW,), jnp.float32),
        pltpu.VMEM((ROW,), jnp.float32),
        pltpu.VMEM((ROW,), jnp.float32),
        pltpu.VMEM((ROW,), jnp.float32),
        pltpu.VMEM((ROW,), jnp.float32),
        pltpu.VMEM((ROW,), jnp.float32),
        pltpu.VMEM((LANES,), jnp.float32),
        pltpu.VMEM((LANES,), jnp.float32),
        pltpu.VMEM((LANES,), jnp.float32),
        pltpu.VMEM((LANES,), jnp.float32),
        pltpu.VMEM((3, SEG_PER_CORE, LANES), jnp.float32),
        pltpu.VMEM((LANES,), jnp.float32),
        pltpu.HBM((3, N_SEG, LANES), jnp.float32),
        pltpu.SemaphoreType.DMA,
    ],
)
def _tscore(
    up_h, uo_h, mp_h, mo_h, thp_h,
    score_h, hits_h, ll_h,
    upx, upy, upz, uox, uoy, uoz, mp, mo, thp,
    stage_p, stage_hh, stage_l, gbuf, outv, stage_sh, dsem,
):
    ci = lax.axis_index("c")
    si = lax.axis_index("s")
    active = si < SEG_PER_CORE
    seg = ci * SEG_PER_CORE + si
    lane = lax.iota(jnp.int32, LANES)

    @pl.when(active)
    def _work():
        base = seg * ROW
        sl_h = pl.ds(base, ROW)
        D = ROW * N_SEG
        cps = (
            pltpu.async_copy(up_h.at[pl.ds(base, ROW)], upx, dsem),
            pltpu.async_copy(up_h.at[pl.ds(D + base, ROW)], upy, dsem),
            pltpu.async_copy(up_h.at[pl.ds(2 * D + base, ROW)], upz, dsem),
            pltpu.async_copy(uo_h.at[pl.ds(base, ROW)], uox, dsem),
            pltpu.async_copy(uo_h.at[pl.ds(D + base, ROW)], uoy, dsem),
            pltpu.async_copy(uo_h.at[pl.ds(2 * D + base, ROW)], uoz, dsem),
            pltpu.async_copy(mp_h.at[sl_h], mp, dsem),
            pltpu.async_copy(mo_h.at[sl_h], mo, dsem),
            pltpu.async_copy(thp_h, thp, dsem),
        )
        for cp in cps:
            cp.wait()

        onehot = lane == seg
        th_all = _T_MIN * jnp.exp(thp[...] * _LOG_RANGE)
        one = jnp.float32(1.0)
        zero = jnp.float32(0.0)
        th = jnp.sum(jnp.where(onehot, th_all, zero))
        rinv = jnp.sum(jnp.where(onehot, one / th_all, zero))

        def chunk(i, accp, acch, accl, accn, acct):
            sl = pl.ds(i * LANES, LANES)
            dux = upx[sl] - uox[sl]
            duy = upy[sl] - uoy[sl]
            duz = upz[sl] - uoz[sl]
            s2 = dux * dux + duy * duy + duz * duz
            close = s2 < th
            vv = s2 * rinv
            dm = mp[sl] - mo[sl]
            zz = dm * _INV_SIGMA
            pmag = _COEF * jnp.exp(np.float32(-0.5) * zz * zz)
            cf = jnp.where(close, one, zero)
            p = jnp.where(close, (one - vv) * pmag, zero)
            pos = p > zero
            selpos = jnp.where(close & pos, one, zero)
            lp = _logf(jnp.maximum(p, jnp.float32(1e-37)))
            tiny = jnp.where(close & pos & (p < jnp.float32(1e-26)), one, zero)
            return (accp + p, acch + cf, accl + selpos * lp,
                    accn + selpos, acct + tiny)

        def body1(i, carry):
            a = chunk(4 * i, *carry)
            a = chunk(4 * i + 1, *a)
            a = chunk(4 * i + 2, *a)
            return chunk(4 * i + 3, *a)

        zero16 = jnp.zeros((LANES,), jnp.float32)
        accp, acch, accl, accn, acct = lax.fori_loop(
            0, NITER // 4, body1, (zero16,) * 5
        )
        ps = jnp.sum(accp)
        hs = jnp.sum(acch)
        npos = jnp.sum(accn)
        ntiny = jnp.sum(acct)
        den = jnp.maximum(ps, jnp.float32(1e-30))
        n0 = hs - npos
        logden = jnp.max(_logf(jnp.zeros((LANES,), jnp.float32) + den))
        ls_fast = jnp.sum(accl) - npos * logden + n0 * _LOG_1EM30

        def exact_ll(_):
            def body2(i, accl2):
                sl = pl.ds(i * LANES, LANES)
                dux = upx[sl] - uox[sl]
                duy = upy[sl] - uoy[sl]
                duz = upz[sl] - uoz[sl]
                s2 = dux * dux + duy * duy + duz * duz
                close = s2 < th
                dm = mp[sl] - mo[sl]
                zz = dm * _INV_SIGMA
                pmag = _COEF * jnp.exp(np.float32(-0.5) * zz * zz)
                p = jnp.where(close, (one - s2 * rinv) * pmag, zero)
                cf = jnp.where(close, one, zero)
                t = jnp.maximum(p / den, jnp.float32(1e-30))
                return accl2 + cf * _logf(t)

            return jnp.sum(lax.fori_loop(0, NITER, body2, zero16))

        ls = lax.cond(
            (ntiny > zero) | (den < jnp.float32(1e-6)),
            exact_ll,
            lambda _: ls_fast,
            zero,
        )

        stage_p[...] = jnp.where(onehot, ps, jnp.float32(0.0))
        stage_hh[...] = jnp.where(onehot, hs, jnp.float32(0.0))
        stage_l[...] = jnp.where(onehot, ls, jnp.float32(0.0))
        pltpu.sync_copy(stage_p, stage_sh.at[0, seg])
        pltpu.sync_copy(stage_hh, stage_sh.at[1, seg])
        pltpu.sync_copy(stage_l, stage_sh.at[2, seg])

    plsc.subcore_barrier()

    @pl.when(si == 0)
    def _gather():
        half = pl.ds(ci * SEG_PER_CORE, SEG_PER_CORE)
        cpg = tuple(
            pltpu.async_copy(stage_sh.at[g, half], gbuf.at[g], dsem)
            for g in range(3)
        )
        for cp in cpg:
            cp.wait()
        for g, out_h in ((0, score_h), (1, hits_h), (2, ll_h)):
            acc = jnp.zeros((LANES,), jnp.float32)
            for i in range(SEG_PER_CORE):
                acc = acc + gbuf[g, i]
            outv[...] = acc
            pltpu.sync_copy(outv.at[half], out_h.at[half])


def kernel(u_pred, mag_pred, u_obs, mag_obs, thresh_s2_param):
    return _tscore(
        u_pred.T.reshape(-1), u_obs.T.reshape(-1),
        mag_pred, mag_obs, thresh_s2_param,
    )

# --- scband reference (transcript-rebuilt; emitter-appended) ---
"""Pipeline reference for scband-trajectory-score-54838142436001 (READ-ONLY COPY).

The authoritative reference and input builder live on the scoring server;
editing this copy changes nothing except your own understanding.
"""

import jax, jax.numpy as jnp
import numpy as np

SPACE_DIMS = 3
BATCH_SIZE = 16
ROW_LEN = 2048
DATA_SIZE = BATCH_SIZE * ROW_LEN
ROW_LENGTHS = np.full((BATCH_SIZE,), ROW_LEN, dtype=np.int32)
SEG_IDS = np.repeat(np.arange(BATCH_SIZE, dtype=np.int32), ROW_LENGTHS)

def deg2dist(deg):
    # convert angular separation in degrees to chordal cartesian distance on unit sphere
    return 2.0 * np.sin(np.radians(np.asarray(deg, dtype=np.float64)) / 2.0)

THRESH_DEG = np.full((BATCH_SIZE,), 1.0, dtype=np.float64)
THRESH_S2_MIN = np.float32(deg2dist(10.0 / 3600.0) ** 2)
THRESH_S2_MAX = (deg2dist(THRESH_DEG) ** 2).astype(np.float32)
LOG_THRESH_S2_RANGE = np.log(THRESH_S2_MAX / THRESH_S2_MIN).astype(np.float32)
SIGMA_MAG = np.float32(np.e * 1.0)  # sigma_mag_normalizer = exp(1.0) * 1.0
INV_ROOT_2PI = np.float32(1.0 / np.sqrt(2.0 * np.pi))


def setup_inputs(seed: int = 0) -> dict:
    key = jax.random.key(seed)
    k1, k2, k3, k4 = jax.random.split(key, 4)
    u_obs = jax.random.normal(k1, (DATA_SIZE, SPACE_DIMS), dtype=jnp.float32)
    u_obs = u_obs / jnp.linalg.norm(u_obs, axis=-1, keepdims=True)
    mag_obs = 16.0 + jax.random.normal(k2, (DATA_SIZE,), dtype=jnp.float32)
    # predicted directions near observed ones so some observations fall within threshold
    u_pred = u_obs + 0.005 * jax.random.normal(k3, (DATA_SIZE, SPACE_DIMS), dtype=jnp.float32)
    mag_pred = mag_obs + 0.5 * jax.random.normal(k4, (DATA_SIZE,), dtype=jnp.float32)
    # trainable transformed threshold parameter thresh_s2_ in [0,1]; init 1.0 -> thresh at max
    thresh_s2_param = jnp.ones((BATCH_SIZE,), dtype=jnp.float32)
    return {"u_pred": u_pred, "mag_pred": mag_pred, "u_obs": u_obs, "mag_obs": mag_obs, "thresh_s2_param": thresh_s2_param}


def reference(u_pred, mag_pred, u_obs, mag_obs, thresh_s2_param):
    seg = jnp.asarray(SEG_IDS)
    # get_thresh_s2: thresh_s2 = thresh_s2_min * exp(thresh_s2_ * log_thresh_s2_range), per element [B]
    thresh_s2_elt = THRESH_S2_MIN * jnp.exp(thresh_s2_param * jnp.asarray(LOG_THRESH_S2_RANGE))
    # repeat per-element threshold over each observation row (calc_dist)
    thresh_rep = jnp.repeat(thresh_s2_elt, ROW_LEN)
    du = u_pred - u_obs
    s2 = jnp.sum(du * du, axis=-1)
    is_close = s2 < thresh_rep
    # v = s2/thresh in [0,1], only on close observations
    v = jnp.where(is_close, s2 / thresh_rep, 0.0)
    # apparent magnitude gaussian likelihood per observation
    dmag = mag_pred - mag_obs
    z = dmag / SIGMA_MAG
    p_mag = (INV_ROOT_2PI / SIGMA_MAG) * jnp.exp(-0.5 * z * z)
    # conditional probability per observation, masked to close observations
    p = jnp.where(is_close, (1.0 - v) * p_mag, 0.0)
    # ragged per-element reductions (RaggedTensor.from_row_lengths -> reduce_sum)
    p_sum = jax.ops.segment_sum(p, seg, num_segments=BATCH_SIZE)
    hits = jax.ops.segment_sum(is_close.astype(jnp.float32), seg, num_segments=BATCH_SIZE)
    # normalize_prob: p / repeat(sum per element)
    p_den = jnp.repeat(jnp.maximum(p_sum, 1e-30), ROW_LEN)
    p_norm = p / p_den
    log_like = jax.ops.segment_sum(jnp.where(is_close, jnp.log(jnp.maximum(p_norm, 1e-30)), 0.0), seg, num_segments=BATCH_SIZE)
    score = p_sum
    return score, hits, log_like


if False:  # reference __main__ guard neutralized (emitter)
    out = reference(**setup_inputs())
    for o in out:
        print(o.shape, o.dtype)

if __name__ == "__main__":
    import jax
    _d = setup_inputs()
    print(jax.jit(kernel)(*tuple(_d.values())))

</pallas_src>

<mosaic_0001>
#map = affine_map<(d0, d1) -> (0)>
module attributes {stable_mosaic.version = 14 : i64} {
  func.func @_tscore(%arg0: i32, %arg1: i32, %arg2: memref<98304xf32, #tpu.memory_space<hbm>>, %arg3: memref<98304xf32, #tpu.memory_space<hbm>>, %arg4: memref<32768xf32, #tpu.memory_space<hbm>>, %arg5: memref<32768xf32, #tpu.memory_space<hbm>>, %arg6: memref<16xf32, #tpu.memory_space<hbm>>, %arg7: memref<16xf32, #tpu.memory_space<hbm>>, %arg8: memref<16xf32, #tpu.memory_space<hbm>>, %arg9: memref<16xf32, #tpu.memory_space<hbm>>, %arg10: memref<2048xf32, #tpu.memory_space<vmem>>, %arg11: memref<2048xf32, #tpu.memory_space<vmem>>, %arg12: memref<2048xf32, #tpu.memory_space<vmem>>, %arg13: memref<2048xf32, #tpu.memory_space<vmem>>, %arg14: memref<2048xf32, #tpu.memory_space<vmem>>, %arg15: memref<2048xf32, #tpu.memory_space<vmem>>, %arg16: memref<2048xf32, #tpu.memory_space<vmem>>, %arg17: memref<2048xf32, #tpu.memory_space<vmem>>, %arg18: memref<16xf32, #tpu.memory_space<vmem>>, %arg19: memref<16xf32, #tpu.memory_space<vmem>>, %arg20: memref<16xf32, #tpu.memory_space<vmem>>, %arg21: memref<16xf32, #tpu.memory_space<vmem>>, %arg22: memref<3x8x16xf32, #tpu.memory_space<vmem>>, %arg23: memref<16xf32, #tpu.memory_space<vmem>>, %arg24: memref<3x16x16xf32, #tpu.memory_space<hbm>>, %arg25: memref<!tpu.dma_semaphore, #tpu.memory_space<semaphore_mem>>) attributes {dimension_semantics = [#tpu.dimension_semantics<core_parallel>, #tpu.dimension_semantics<subcore_parallel>], iteration_bounds = array<i64: 2, 16>, scalar_prefetch = 0 : i64, scratch_operands = 16 : i64, tpu.core_type = #tpu.core_type<sc_vector_subcore>, window_params = [{transform_indices = #map}, {transform_indices = #map}, {transform_indices = #map}, {transform_indices = #map}, {transform_indices = #map}, {transform_indices = #map}, {transform_indices = #map}, {transform_indices = #map}]} {
    %lt3A = arith.constant 8 : i32
    %lt3A_0 = arith.cmpi slt, %arg1, %lt3A : i32
    %mul3A = arith.constant 8 : i32
    %mul3A_1 = arith.muli %arg0, %mul3A : i32
    %add3A = arith.addi %mul3A_1, %arg1 : i32
    %iota3A = tpu.iota {dimensions = array<i32: 0>} : vector<16xi32>
    %convert_element_type3A = arith.extui %lt3A_0 : i1 to i32
    %cond3A = arith.constant 0 : i32
    %cond3A_2 = arith.cmpi ne, %convert_element_type3A, %cond3A : i32
    scf.if %cond3A_2 {
      %mul3A_7 = arith.constant 2048 : i32
      %mul3A_8 = arith.muli %add3A, %mul3A_7 : i32
      %dma_start3A = tpu.memref_slice %arg2[%mul3A_8] : memref<98304xf32, #tpu.memory_space<hbm>> -> memref<2048xf32, #tpu.memory_space<hbm>>
      %dma_start3A_9 = tpu.memref_slice %arg2[%mul3A_8] : memref<98304xf32, #tpu.memory_space<hbm>> -> memref<2048xf32, #tpu.memory_space<hbm>>
      tpu.enqueue_dma source(%dma_start3A_9 : memref<2048xf32, #tpu.memory_space<hbm>>) target(%arg10 : memref<2048xf32, #tpu.memory_space<vmem>>) target_semaphore(%arg25 : memref<!tpu.dma_semaphore, #tpu.memory_space<semaphore_mem>>)
      %add3A_10 = arith.constant 32768 : i32
      %add3A_11 = arith.addi %add3A_10, %mul3A_8 : i32
      %dma_start3A_12 = tpu.memref_slice %arg2[%add3A_11] : memref<98304xf32, #tpu.memory_space<hbm>> -> memref<2048xf32, #tpu.memory_space<hbm>>
      %dma_start3A_13 = tpu.memref_slice %arg2[%add3A_11] : memref<98304xf32, #tpu.memory_space<hbm>> -> memref<2048xf32, #tpu.memory_space<hbm>>
      tpu.enqueue_dma source(%dma_start3A_13 : memref<2048xf32, #tpu.memory_space<hbm>>) target(%arg11 : memref<2048xf32, #tpu.memory_space<vmem>>) target_semaphore(%arg25 : memref<!tpu.dma_semaphore, #tpu.memory_space<semaphore_mem>>)
      %add3A_14 = arith.constant 65536 : i32
      %add3A_15 = arith.addi %add3A_14, %mul3A_8 : i32
      %dma_start3A_16 = tpu.memref_slice %arg2[%add3A_15] : memref<98304xf32, #tpu.memory_space<hbm>> -> memref<2048xf32, #tpu.memory_space<hbm>>
      %dma_start3A_17 = tpu.memref_slice %arg2[%add3A_15] : memref<98304xf32, #tpu.memory_space<hbm>> -> memref<2048xf32, #tpu.memory_space<hbm>>
      tpu.enqueue_dma source(%dma_start3A_17 : memref<2048xf32, #tpu.memory_space<hbm>>) target(%arg12 : memref<2048xf32, #tpu.memory_space<vmem>>) target_semaphore(%arg25 : memref<!tpu.dma_semaphore, #tpu.memory_space<semaphore_mem>>)
      %dma_start3A_18 = tpu.memref_slice %arg3[%mul3A_8] : memref<98304xf32, #tpu.memory_space<hbm>> -> memref<2048xf32, #tpu.memory_space<hbm>>
      %dma_start3A_19 = tpu.memref_slice %arg3[%mul3A_8] : memref<98304xf32, #tpu.memory_space<hbm>> -> memref<2048xf32, #tpu.memory_space<hbm>>
      tpu.enqueue_dma source(%dma_start3A_19 : memref<2048xf32, #tpu.memory_space<hbm>>) target(%arg13 : memref<2048xf32, #tpu.memory_space<vmem>>) target_semaphore(%arg25 : memref<!tpu.dma_semaphore, #tpu.memory_space<semaphore_mem>>)
      %add3A_20 = arith.constant 32768 : i32
      %add3A_21 = arith.addi %add3A_20, %mul3A_8 : i32
      %dma_start3A_22 = tpu.memref_slice %arg3[%add3A_21] : memref<98304xf32, #tpu.memory_space<hbm>> -> memref<2048xf32, #tpu.memory_space<hbm>>
      %dma_start3A_23 = tpu.memref_slice %arg3[%add3A_21] : memref<98304xf32, #tpu.memory_space<hbm>> -> memref<2048xf32, #tpu.memory_space<hbm>>
      tpu.enqueue_dma source(%dma_start3A_23 : memref<2048xf32, #tpu.memory_space<hbm>>) target(%arg14 : memref<2048xf32, #tpu.memory_space<vmem>>) target_semaphore(%arg25 : memref<!tpu.dma_semaphore, #tpu.memory_space<semaphore_mem>>)
      %add3A_24 = arith.constant 65536 : i32
      %add3A_25 = arith.addi %add3A_24, %mul3A_8 : i32
      %dma_start3A_26 = tpu.memref_slice %arg3[%add3A_25] : memref<98304xf32, #tpu.memory_space<hbm>> -> memref<2048xf32, #tpu.memory_space<hbm>>
      %dma_start3A_27 = tpu.memref_slice %arg3[%add3A_25] : memref<98304xf32, #tpu.memory_space<hbm>> -> memref<2048xf32, #tpu.memory_space<hbm>>
      tpu.enqueue_dma source(%dma_start3A_27 : memref<2048xf32, #tpu.memory_space<hbm>>) target(%arg15 : memref<2048xf32, #tpu.memory_space<vmem>>) target_semaphore(%arg25 : memref<!tpu.dma_semaphore, #tpu.memory_space<semaphore_mem>>)
      %dma_start3A_28 = tpu.memref_slice %arg4[%mul3A_8] : memref<32768xf32, #tpu.memory_space<hbm>> -> memref<2048xf32, #tpu.memory_space<hbm>>
      %dma_start3A_29 = tpu.memref_slice %arg4[%mul3A_8] : memref<32768xf32, #tpu.memory_space<hbm>> -> memref<2048xf32, #tpu.memory_space<hbm>>
      tpu.enqueue_dma source(%dma_start3A_29 : memref<2048xf32, #tpu.memory_space<hbm>>) target(%arg16 : memref<2048xf32, #tpu.memory_space<vmem>>) target_semaphore(%arg25 : memref<!tpu.dma_semaphore, #tpu.memory_space<semaphore_mem>>)
      %dma_start3A_30 = tpu.memref_slice %arg5[%mul3A_8] : memref<32768xf32, #tpu.memory_space<hbm>> -> memref<2048xf32, #tpu.memory_space<hbm>>
      %dma_start3A_31 = tpu.memref_slice %arg5[%mul3A_8] : memref<32768xf32, #tpu.memory_space<hbm>> -> memref<2048xf32, #tpu.memory_space<hbm>>
      tpu.enqueue_dma source(%dma_start3A_31 : memref<2048xf32, #tpu.memory_space<hbm>>) target(%arg17 : memref<2048xf32, #tpu.memory_space<vmem>>) target_semaphore(%arg25 : memref<!tpu.dma_semaphore, #tpu.memory_space<semaphore_mem>>)
      tpu.enqueue_dma source(%arg6 : memref<16xf32, #tpu.memory_space<hbm>>) target(%arg18 : memref<16xf32, #tpu.memory_space<vmem>>) target_semaphore(%arg25 : memref<!tpu.dma_semaphore, #tpu.memory_space<semaphore_mem>>)
      %dma_wait3A = tpu.memref_slice %arg2[%mul3A_8] : memref<98304xf32, #tpu.memory_space<hbm>> -> memref<2048xf32, #tpu.memory_space<hbm>>
      %dma_wait3A_32 = tpu.memref_slice %arg2[%mul3A_8] : memref<98304xf32, #tpu.memory_space<hbm>> -> memref<2048xf32, #tpu.memory_space<hbm>>
      tpu.wait_dma2 semaphore(%arg25 : memref<!tpu.dma_semaphore, #tpu.memory_space<semaphore_mem>>) src(%dma_wait3A_32 : memref<2048xf32, #tpu.memory_space<hbm>>) dst(%arg10 : memref<2048xf32, #tpu.memory_space<vmem>>)
      %dma_wait3A_33 = tpu.memref_slice %arg2[%add3A_11] : memref<98304xf32, #tpu.memory_space<hbm>> -> memref<2048xf32, #tpu.memory_space<hbm>>
      %dma_wait3A_34 = tpu.memref_slice %arg2[%add3A_11] : memref<98304xf32, #tpu.memory_space<hbm>> -> memref<2048xf32, #tpu.memory_space<hbm>>
      tpu.wait_dma2 semaphore(%arg25 : memref<!tpu.dma_semaphore, #tpu.memory_space<semaphore_mem>>) src(%dma_wait3A_34 : memref<2048xf32, #tpu.memory_space<hbm>>) dst(%arg11 : memref<2048xf32, #tpu.memory_space<vmem>>)
      %dma_wait3A_35 = tpu.memref_slice %arg2[%add3A_15] : memref<98304xf32, #tpu.memory_space<hbm>> -> memref<2048xf32, #tpu.memory_space<hbm>>
      %dma_wait3A_36 = tpu.memref_slice %arg2[%add3A_15] : memref<98304xf32, #tpu.memory_space<hbm>> -> memref<2048xf32, #tpu.memory_space<hbm>>
      tpu.wait_dma2 semaphore(%arg25 : memref<!tpu.dma_semaphore, #tpu.memory_space<semaphore_mem>>) src(%dma_wait3A_36 : memref<2048xf32, #tpu.memory_space<hbm>>) dst(%arg12 : memref<2048xf32, #tpu.memory_space<vmem>>)
      %dma_wait3A_37 = tpu.memref_slice %arg3[%mul3A_8] : memref<98304xf32, #tpu.memory_space<hbm>> -> memref<2048xf32, #tpu.memory_space<hbm>>
      %dma_wait3A_38 = tpu.memref_slice %arg3[%mul3A_8] : memref<98304xf32, #tpu.memory_space<hbm>> -> memref<2048xf32, #tpu.memory_space<hbm>>
      tpu.wait_dma2 semaphore(%arg25 : memref<!tpu.dma_semaphore, #tpu.memory_space<semaphore_mem>>) src(%dma_wait3A_38 : memref<2048xf32, #tpu.memory_space<hbm>>) dst(%arg13 : memref<2048xf32, #tpu.memory_space<vmem>>)
      %dma_wait3A_39 = tpu.memref_slice %arg3[%add3A_21] : memref<98304xf32, #tpu.memory_space<hbm>> -> memref<2048xf32, #tpu.memory_space<hbm>>
      %dma_wait3A_40 = tpu.memref_slice %arg3[%add3A_21] : memref<98304xf32, #tpu.memory_space<hbm>> -> memref<2048xf32, #tpu.memory_space<hbm>>
      tpu.wait_dma2 semaphore(%arg25 : memref<!tpu.dma_semaphore, #tpu.memory_space<semaphore_mem>>) src(%dma_wait3A_40 : memref<2048xf32, #tpu.memory_space<hbm>>) dst(%arg14 : memref<2048xf32, #tpu.memory_space<vmem>>)
      %dma_wait3A_41 = tpu.memref_slice %arg3[%add3A_25] : memref<98304xf32, #tpu.memory_space<hbm>> -> memref<2048xf32, #tpu.memory_space<hbm>>
      %dma_wait3A_42 = tpu.memref_slice %arg3[%add3A_25] : memref<98304xf32, #tpu.memory_space<hbm>> -> memref<2048xf32, #tpu.memory_space<hbm>>
      tpu.wait_dma2 semaphore(%arg25 : memref<!tpu.dma_semaphore, #tpu.memory_space<semaphore_mem>>) src(%dma_wait3A_42 : memref<2048xf32, #tpu.memory_space<hbm>>) dst(%arg15 : memref<2048xf32, #tpu.memory_space<vmem>>)
      %dma_wait3A_43 = tpu.memref_slice %arg4[%mul3A_8] : memref<32768xf32, #tpu.memory_space<hbm>> -> memref<2048xf32, #tpu.memory_space<hbm>>
      %dma_wait3A_44 = tpu.memref_slice %arg4[%mul3A_8] : memref<32768xf32, #tpu.memory_space<hbm>> -> memref<2048xf32, #tpu.memory_space<hbm>>
      tpu.wait_dma2 semaphore(%arg25 : memref<!tpu.dma_semaphore, #tpu.memory_space<semaphore_mem>>) src(%dma_wait3A_44 : memref<2048xf32, #tpu.memory_space<hbm>>) dst(%arg16 : memref<2048xf32, #tpu.memory_space<vmem>>)
      %dma_wait3A_45 = tpu.memref_slice %arg5[%mul3A_8] : memref<32768xf32, #tpu.memory_space<hbm>> -> memref<2048xf32, #tpu.memory_space<hbm>>
      %dma_wait3A_46 = tpu.memref_slice %arg5[%mul3A_8] : memref<32768xf32, #tpu.memory_space<hbm>> -> memref<2048xf32, #tpu.memory_space<hbm>>
      tpu.wait_dma2 semaphore(%arg25 : memref<!tpu.dma_semaphore, #tpu.memory_space<semaphore_mem>>) src(%dma_wait3A_46 : memref<2048xf32, #tpu.memory_space<hbm>>) dst(%arg17 : memref<2048xf32, #tpu.memory_space<vmem>>)
      tpu.wait_dma2 semaphore(%arg25 : memref<!tpu.dma_semaphore, #tpu.memory_space<semaphore_mem>>) src(%arg6 : memref<16xf32, #tpu.memory_space<hbm>>) dst(%arg18 : memref<16xf32, #tpu.memory_space<vmem>>)
      %eq3A_47 = vector.broadcast %add3A : i32 to vector<16xi32>
      %eq3A_48 = arith.cmpi eq, %iota3A, %eq3A_47 : vector<16xi32>
      %get3A = arith.constant 0 : index
      %get3A_49 = tpu.vector_load %arg18[%get3A] {strides = array<i32>} : memref<16xf32, #tpu.memory_space<vmem>>, vector<16xf32>,
      %mul3A_50 = arith.constant 11.7721825 : f32
      %mul3A_51 = vector.broadcast %mul3A_50 : f32 to vector<16xf32>
      %mul3A_52 = arith.mulf %get3A_49, %mul3A_51 : vector<16xf32>
      %exp3A = math.exp %mul3A_52 : vector<16xf32>
      %mul3A_53 = arith.constant 2.35044295E-9 : f32
      %mul3A_54 = vector.broadcast %mul3A_53 : f32 to vector<16xf32>
      %mul3A_55 = arith.mulf %mul3A_54, %exp3A : vector<16xf32>
      %jit3A = arith.constant 0.000000e+00 : f32
      %broadcast_in_dim3A = vector.broadcast %jit3A : f32 to vector<16xf32>
      %select_n3A = arith.select %eq3A_48, %mul3A_55, %broadcast_in_dim3A : vector<16xi1>, vector<16xf32>
      %reduce_sum3A = arith.constant true
      %reduce_sum3A_56 = vector.broadcast %reduce_sum3A : i1 to vector<16xi1>
      %reduce_sum3A_57 = tpu.scan <sum>, %select_n3A masked %reduce_sum3A_56 : vector<16xf32>, vector<16xi1> -> vector<16xf32>
      %reduce_sum3A_58 = vector.extract %reduce_sum3A_57[15] : f32 from vector<16xf32>
      %div3A = arith.constant 1.000000e+00 : f32
      %div3A_59 = vector.broadcast %div3A : f32 to vector<16xf32>
      %div3A_60 = arith.divf %div3A_59, %mul3A_55 : vector<16xf32>
      %jit3A_61 = arith.constant 0.000000e+00 : f32
      %broadcast_in_dim3A_62 = vector.broadcast %jit3A_61 : f32 to vector<16xf32>
      %select_n3A_63 = arith.select %eq3A_48, %div3A_60, %broadcast_in_dim3A_62 : vector<16xi1>, vector<16xf32>
      %reduce_sum3A_64 = arith.constant true
      %reduce_sum3A_65 = vector.broadcast %reduce_sum3A_64 : i1 to vector<16xi1>
      %reduce_sum3A_66 = tpu.scan <sum>, %select_n3A_63 masked %reduce_sum3A_65 : vector<16xf32>, vector<16xi1> -> vector<16xf32>
      %reduce_sum3A_67 = vector.extract %reduce_sum3A_66[15] : f32 from vector<16xf32>
      %broadcast_in_dim3A_68 = arith.constant 0.000000e+00 : f32
      %broadcast_in_dim3A_69 = vector.broadcast %broadcast_in_dim3A_68 : f32 to vector<16xf32>
      %scan3A = arith.constant 1.000000e+00 : f32
      %scan3A_70 = arith.constant 0.000000e+00 : f32
      %scan3A_71 = arith.constant 0 : i32
      %scan3A_72 = arith.constant 32 : i32
      %scan3A_73 = arith.addi %scan3A_71, %scan3A_72 : i32
      %scan3A_74 = arith.constant 1 : i32
      %scan3A_75:5 = scf.for %scan3A_190 = %scan3A_71 to %scan3A_73 step %scan3A_74 iter_args(%scan3A_191 = %broadcast_in_dim3A_69, %scan3A_192 = %broadcast_in_dim3A_69, %scan3A_193 = %broadcast_in_dim3A_69, %scan3A_194 = %broadcast_in_dim3A_69, %scan3A_195 = %broadcast_in_dim3A_69) -> (vector<16xf32>, vector<16xf32>, vector<16xf32>, vector<16xf32>, vector<16xf32>)  : i32 {
        %mul3A_196 = arith.constant 4 : i32
        %mul3A_197 = arith.muli %mul3A_196, %scan3A_190 : i32
        %mul3A_198 = arith.constant 16 : i32
        %mul3A_199 = arith.muli %mul3A_197, %mul3A_198 : i32
        %get3A_200 = arith.index_cast %mul3A_199 : i32 to index
        %get3A_201 = tpu.vector_load %arg10[%get3A_200] {strides = array<i32>} : memref<2048xf32, #tpu.memory_space<vmem>>, vector<16xf32>,
        %get3A_202 = arith.index_cast %mul3A_199 : i32 to index
        %get3A_203 = tpu.vector_load %arg13[%get3A_202] {strides = array<i32>} : memref<2048xf32, #tpu.memory_space<vmem>>, vector<16xf32>,
        %sub3A_204 = arith.subf %get3A_201, %get3A_203 : vector<16xf32>
        %get3A_205 = arith.index_cast %mul3A_199 : i32 to index
        %get3A_206 = tpu.vector_load %arg11[%get3A_205] {strides = array<i32>} : memref<2048xf32, #tpu.memory_space<vmem>>, vector<16xf32>,
        %get3A_207 = arith.index_cast %mul3A_199 : i32 to index
        %get3A_208 = tpu.vector_load %arg14[%get3A_207] {strides = array<i32>} : memref<2048xf32, #tpu.memory_space<vmem>>, vector<16xf32>,
        %sub3A_209 = arith.subf %get3A_206, %get3A_208 : vector<16xf32>
        %get3A_210 = arith.index_cast %mul3A_199 : i32 to index
        %get3A_211 = tpu.vector_load %arg12[%get3A_210] {strides = array<i32>} : memref<2048xf32, #tpu.memory_space<vmem>>, vector<16xf32>,
        %get3A_212 = arith.index_cast %mul3A_199 : i32 to index
        %get3A_213 = tpu.vector_load %arg15[%get3A_212] {strides = array<i32>} : memref<2048xf32, #tpu.memory_space<vmem>>, vector<16xf32>,
        %sub3A_214 = arith.subf %get3A_211, %get3A_213 : vector<16xf32>
        %mul3A_215 = arith.mulf %sub3A_204, %sub3A_204 : vector<16xf32>
        %mul3A_216 = arith.mulf %sub3A_209, %sub3A_209 : vector<16xf32>
        %add3A_217 = arith.addf %mul3A_215, %mul3A_216 : vector<16xf32>
        %mul3A_218 = arith.mulf %sub3A_214, %sub3A_214 : vector<16xf32>
        %add3A_219 = arith.addf %add3A_217, %mul3A_218 : vector<16xf32>
        %lt3A_220 = vector.broadcast %reduce_sum3A_58 : f32 to vector<16xf32>
        %lt3A_221 = arith.cmpf olt, %add3A_219, %lt3A_220 : vector<16xf32>
        %mul3A_222 = vector.broadcast %reduce_sum3A_67 : f32 to vector<16xf32>
        %mul3A_223 = arith.mulf %add3A_219, %mul3A_222 : vector<16xf32>
        %get3A_224 = arith.index_cast %mul3A_199 : i32 to index
        %get3A_225 = tpu.vector_load %arg16[%get3A_224] {strides = array<i32>} : memref<2048xf32, #tpu.memory_space<vmem>>, vector<16xf32>,
        %get3A_226 = arith.index_cast %mul3A_199 : i32 to index
        %get3A_227 = tpu.vector_load %arg17[%get3A_226] {strides = array<i32>} : memref<2048xf32, #tpu.memory_space<vmem>>, vector<16xf32>,
        %sub3A_228 = arith.subf %get3A_225, %get3A_227 : vector<16xf32>
        %mul3A_229 = arith.constant 0.36787945 : f32
        %mul3A_230 = vector.broadcast %mul3A_229 : f32 to vector<16xf32>
        %mul3A_231 = arith.mulf %sub3A_228, %mul3A_230 : vector<16xf32>
        %mul3A_232 = arith.constant -5.000000e-01 : f32
        %mul3A_233 = vector.broadcast %mul3A_232 : f32 to vector<16xf32>
        %mul3A_234 = arith.mulf %mul3A_233, %mul3A_231 : vector<16xf32>
        %mul3A_235 = arith.mulf %mul3A_234, %mul3A_231 : vector<16xf32>
        %exp3A_236 = math.exp %mul3A_235 : vector<16xf32>
        %mul3A_237 = arith.constant 0.146762669 : f32
        %mul3A_238 = vector.broadcast %mul3A_237 : f32 to vector<16xf32>
        %mul3A_239 = arith.mulf %mul3A_238, %exp3A_236 : vector<16xf32>
        %broadcast_in_dim3A_240 = vector.broadcast %scan3A : f32 to vector<16xf32>
        %broadcast_in_dim3A_241 = vector.broadcast %scan3A_70 : f32 to vector<16xf32>
        %select_n3A_242 = arith.select %lt3A_221, %broadcast_in_dim3A_240, %broadcast_in_dim3A_241 : vector<16xi1>, vector<16xf32>
        %sub3A_243 = vector.broadcast %scan3A : f32 to vector<16xf32>
        %sub3A_244 = arith.subf %sub3A_243, %mul3A_223 : vector<16xf32>
        %mul3A_245 = arith.mulf %sub3A_244, %mul3A_239 : vector<16xf32>
        %broadcast_in_dim3A_246 = vector.broadcast %scan3A_70 : f32 to vector<16xf32>
        %select_n3A_247 = arith.select %lt3A_221, %mul3A_245, %broadcast_in_dim3A_246 : vector<16xi1>, vector<16xf32>
        %gt3A_248 = vector.broadcast %scan3A_70 : f32 to vector<16xf32>
        %gt3A_249 = arith.cmpf ogt, %select_n3A_247, %gt3A_248 : vector<16xf32>
        %and3A_250 = arith.andi %lt3A_221, %gt3A_249 : vector<16xi1>
        %broadcast_in_dim3A_251 = vector.broadcast %scan3A : f32 to vector<16xf32>
        %broadcast_in_dim3A_252 = vector.broadcast %scan3A_70 : f32 to vector<16xf32>
        %select_n3A_253 = arith.select %and3A_250, %broadcast_in_dim3A_251, %broadcast_in_dim3A_252 : vector<16xi1>, vector<16xf32>
        %max3A_254 = arith.constant 9.99999991E-38 : f32
        %max3A_255 = vector.broadcast %max3A_254 : f32 to vector<16xf32>
        %max3A_256 = arith.maximumf %select_n3A_247, %max3A_255 : vector<16xf32>
        %bitcast_convert_type3A_257 = tpu.bitcast %max3A_256 : vector<16xf32> -> vector<16xi32>
        %add3A_258 = arith.constant 4913933 : i32
        %add3A_259 = vector.broadcast %add3A_258 : i32 to vector<16xi32>
        %add3A_260 = arith.addi %bitcast_convert_type3A_257, %add3A_259 : vector<16xi32>
        %shift_right_arithmetic3A_261 = arith.constant 23 : i32
        %shift_right_arithmetic3A_262 = vector.broadcast %shift_right_arithmetic3A_261 : i32 to vector<16xi32>
        %shift_right_arithmetic3A_263 = arith.shrsi %add3A_260, %shift_right_arithmetic3A_262 : vector<16xi32>
        %sub3A_264 = arith.constant 127 : i32
        %sub3A_265 = vector.broadcast %sub3A_264 : i32 to vector<16xi32>
        %sub3A_266 = arith.subi %shift_right_arithmetic3A_263, %sub3A_265 : vector<16xi32>
        %and3A_267 = arith.constant 8388607 : i32
        %and3A_268 = vector.broadcast %and3A_267 : i32 to vector<16xi32>
        %and3A_269 = arith.andi %add3A_260, %and3A_268 : vector<16xi32>
        %add3A_270 = arith.constant 1060439283 : i32
        %add3A_271 = vector.broadcast %add3A_270 : i32 to vector<16xi32>
        %add3A_272 = arith.addi %and3A_269, %add3A_271 : vector<16xi32>
        %bitcast_convert_type3A_273 = tpu.bitcast %add3A_272 : vector<16xi32> -> vector<16xf32>
        %sub3A_274 = arith.constant 1.000000e+00 : f32
        %sub3A_275 = vector.broadcast %sub3A_274 : f32 to vector<16xf32>
        %sub3A_276 = arith.subf %bitcast_convert_type3A_273, %sub3A_275 : vector<16xf32>
        %add3A_277 = arith.constant 2.000000e+00 : f32
        %add3A_278 = vector.broadcast %add3A_277 : f32 to vector<16xf32>
        %add3A_279 = arith.addf %add3A_278, %sub3A_276 : vector<16xf32>
        %div3A_280 = arith.divf %sub3A_276, %add3A_279 : vector<16xf32>
        %mul3A_281 = arith.mulf %div3A_280, %div3A_280 : vector<16xf32>
        %mul3A_282 = arith.mulf %mul3A_281, %mul3A_281 : vector<16xf32>
        %mul3A_283 = arith.constant 0.242790788 : f32
        %mul3A_284 = vector.broadcast %mul3A_283 : f32 to vector<16xf32>
        %mul3A_285 = arith.mulf %mul3A_282, %mul3A_284 : vector<16xf32>
        %add3A_286 = arith.constant 0.400009722 : f32
        %add3A_287 = vector.broadcast %add3A_286 : f32 to vector<16xf32>
        %add3A_288 = arith.addf %add3A_287, %mul3A_285 : vector<16xf32>
        %mul3A_289 = arith.mulf %mul3A_282, %add3A_288 : vector<16xf32>
        %mul3A_290 = arith.constant 0.284987867 : f32
        %mul3A_291 = vector.broadcast %mul3A_290 : f32 to vector<16xf32>
        %mul3A_292 = arith.mulf %mul3A_282, %mul3A_291 : vector<16xf32>
        %add3A_293 = arith.constant 0.666666627 : f32
        %add3A_294 = vector.broadcast %add3A_293 : f32 to vector<16xf32>
        %add3A_295 = arith.addf %add3A_294, %mul3A_292 : vector<16xf32>
        %mul3A_296 = arith.mulf %mul3A_281, %add3A_295 : vector<16xf32>
        %add3A_297 = arith.addf %mul3A_296, %mul3A_289 : vector<16xf32>
        %mul3A_298 = arith.constant 5.000000e-01 : f32
        %mul3A_299 = vector.broadcast %mul3A_298 : f32 to vector<16xf32>
        %mul3A_300 = arith.mulf %mul3A_299, %sub3A_276 : vector<16xf32>
        %mul3A_301 = arith.mulf %mul3A_300, %sub3A_276 : vector<16xf32>
        %add3A_302 = arith.addf %mul3A_301, %add3A_297 : vector<16xf32>
        %mul3A_303 = arith.mulf %div3A_280, %add3A_302 : vector<16xf32>
        %sub3A_304 = arith.subf %mul3A_301, %mul3A_303 : vector<16xf32>
        %sub3A_305 = arith.subf %sub3A_276, %sub3A_304 : vector<16xf32>
        %convert_element_type3A_306 = arith.sitofp %sub3A_266 : vector<16xi32> to vector<16xf32>
        %mul3A_307 = arith.constant 0.693147182 : f32
        %mul3A_308 = vector.broadcast %mul3A_307 : f32 to vector<16xf32>
        %mul3A_309 = arith.mulf %convert_element_type3A_306, %mul3A_308 : vector<16xf32>
        %add3A_310 = arith.addf %sub3A_305, %mul3A_309 : vector<16xf32>
        %and3A_311 = arith.andi %lt3A_221, %gt3A_249 : vector<16xi1>
        %lt3A_312 = arith.constant 9.99999988E-27 : f32
        %lt3A_313 = vector.broadcast %lt3A_312 : f32 to vector<16xf32>
        %lt3A_314 = arith.cmpf olt, %select_n3A_247, %lt3A_313 : vector<16xf32>
        %and3A_315 = arith.andi %and3A_311, %lt3A_314 : vector<16xi1>
        %broadcast_in_dim3A_316 = vector.broadcast %scan3A : f32 to vector<16xf32>
        %broadcast_in_dim3A_317 = vector.broadcast %scan3A_70 : f32 to vector<16xf32>
        %select_n3A_318 = arith.select %and3A_315, %broadcast_in_dim3A_316, %broadcast_in_dim3A_317 : vector<16xi1>, vector<16xf32>
        %add3A_319 = arith.addf %scan3A_191, %select_n3A_247 : vector<16xf32>
        %add3A_320 = arith.addf %scan3A_192, %select_n3A_242 : vector<16xf32>
        %mul3A_321 = arith.mulf %select_n3A_253, %add3A_310 : vector<16xf32>
        %add3A_322 = arith.addf %scan3A_193, %mul3A_321 : vector<16xf32>
        %add3A_323 = arith.addf %scan3A_194, %select_n3A_253 : vector<16xf32>
        %add3A_324 = arith.addf %scan3A_195, %select_n3A_318 : vector<16xf32>
        %mul3A_325 = arith.constant 4 : i32
        %mul3A_326 = arith.muli %mul3A_325, %scan3A_190 : i32
        %add3A_327 = arith.constant 1 : i32
        %add3A_328 = arith.addi %mul3A_326, %add3A_327 : i32
        %mul3A_329 = arith.constant 16 : i32
        %mul3A_330 = arith.muli %add3A_328, %mul3A_329 : i32
        %get3A_331 = arith.index_cast %mul3A_330 : i32 to index
        %get3A_332 = tpu.vector_load %arg10[%get3A_331] {strides = array<i32>} : memref<2048xf32, #tpu.memory_space<vmem>>, vector<16xf32>,
        %get3A_333 = arith.index_cast %mul3A_330 : i32 to index
        %get3A_334 = tpu.vector_load %arg13[%get3A_333] {strides = array<i32>} : memref<2048xf32, #tpu.memory_space<vmem>>, vector<16xf32>,
        %sub3A_335 = arith.subf %get3A_332, %get3A_334 : vector<16xf32>
        %get3A_336 = arith.index_cast %mul3A_330 : i32 to index
        %get3A_337 = tpu.vector_load %arg11[%get3A_336] {strides = array<i32>} : memref<2048xf32, #tpu.memory_space<vmem>>, vector<16xf32>,
        %get3A_338 = arith.index_cast %mul3A_330 : i32 to index
        %get3A_339 = tpu.vector_load %arg14[%get3A_338] {strides = array<i32>} : memref<2048xf32, #tpu.memory_space<vmem>>, vector<16xf32>,
        %sub3A_340 = arith.subf %get3A_337, %get3A_339 : vector<16xf32>
        %get3A_341 = arith.index_cast %mul3A_330 : i32 to index
        %get3A_342 = tpu.vector_load %arg12[%get3A_341] {strides = array<i32>} : memref<2048xf32, #tpu.memory_space<vmem>>, vector<16xf32>,
        %get3A_343 = arith.index_cast %mul3A_330 : i32 to index
        %get3A_344 = tpu.vector_load %arg15[%get3A_343] {strides = array<i32>} : memref<2048xf32, #tpu.memory_space<vmem>>, vector<16xf32>,
        %sub3A_345 = arith.subf %get3A_342, %get3A_344 : vector<16xf32>
        %mul3A_346 = arith.mulf %sub3A_335, %sub3A_335 : vector<16xf32>
        %mul3A_347 = arith.mulf %sub3A_340, %sub3A_340 : vector<16xf32>
        %add3A_348 = arith.addf %mul3A_346, %mul3A_347 : vector<16xf32>
        %mul3A_349 = arith.mulf %sub3A_345, %sub3A_345 : vector<16xf32>
        %add3A_350 = arith.addf %add3A_348, %mul3A_349 : vector<16xf32>
        %lt3A_351 = vector.broadcast %reduce_sum3A_58 : f32 to vector<16xf32>
        %lt3A_352 = arith.cmpf olt, %add3A_350, %lt3A_351 : vector<16xf32>
        %mul3A_353 = vector.broadcast %reduce_sum3A_67 : f32 to vector<16xf32>
        %mul3A_354 = arith.mulf %add3A_350, %mul3A_353 : vector<16xf32>
        %get3A_355 = arith.index_cast %mul3A_330 : i32 to index
        %get3A_356 = tpu.vector_load %arg16[%get3A_355] {strides = array<i32>} : memref<2048xf32, #tpu.memory_space<vmem>>, vector<16xf32>,
        %get3A_357 = arith.index_cast %mul3A_330 : i32 to index
        %get3A_358 = tpu.vector_load %arg17[%get3A_357] {strides = array<i32>} : memref<2048xf32, #tpu.memory_space<vmem>>, vector<16xf32>,
        %sub3A_359 = arith.subf %get3A_356, %get3A_358 : vector<16xf32>
        %mul3A_360 = arith.constant 0.36787945 : f32
        %mul3A_361 = vector.broadcast %mul3A_360 : f32 to vector<16xf32>
        %mul3A_362 = arith.mulf %sub3A_359, %mul3A_361 : vector<16xf32>
        %mul3A_363 = arith.constant -5.000000e-01 : f32
        %mul3A_364 = vector.broadcast %mul3A_363 : f32 to vector<16xf32>
        %mul3A_365 = arith.mulf %mul3A_364, %mul3A_362 : vector<16xf32>
        %mul3A_366 = arith.mulf %mul3A_365, %mul3A_362 : vector<16xf32>
        %exp3A_367 = math.exp %mul3A_366 : vector<16xf32>
        %mul3A_368 = arith.constant 0.146762669 : f32
        %mul3A_369 = vector.broadcast %mul3A_368 : f32 to vector<16xf32>
        %mul3A_370 = arith.mulf %mul3A_369, %exp3A_367 : vector<16xf32>
        %broadcast_in_dim3A_371 = vector.broadcast %scan3A : f32 to vector<16xf32>
        %broadcast_in_dim3A_372 = vector.broadcast %scan3A_70 : f32 to vector<16xf32>
        %select_n3A_373 = arith.select %lt3A_352, %broadcast_in_dim3A_371, %broadcast_in_dim3A_372 : vector<16xi1>, vector<16xf32>
        %sub3A_374 = vector.broadcast %scan3A : f32 to vector<16xf32>
        %sub3A_375 = arith.subf %sub3A_374, %mul3A_354 : vector<16xf32>
        %mul3A_376 = arith.mulf %sub3A_375, %mul3A_370 : vector<16xf32>
        %broadcast_in_dim3A_377 = vector.broadcast %scan3A_70 : f32 to vector<16xf32>
        %select_n3A_378 = arith.select %lt3A_352, %mul3A_376, %broadcast_in_dim3A_377 : vector<16xi1>, vector<16xf32>
        %gt3A_379 = vector.broadcast %scan3A_70 : f32 to vector<16xf32>
        %gt3A_380 = arith.cmpf ogt, %select_n3A_378, %gt3A_379 : vector<16xf32>
        %and3A_381 = arith.andi %lt3A_352, %gt3A_380 : vector<16xi1>
        %broadcast_in_dim3A_382 = vector.broadcast %scan3A : f32 to vector<16xf32>
        %broadcast_in_dim3A_383 = vector.broadcast %scan3A_70 : f32 to vector<16xf32>
        %select_n3A_384 = arith.select %and3A_381, %broadcast_in_dim3A_382, %broadcast_in_dim3A_383 : vector<16xi1>, vector<16xf32>
        %max3A_385 = arith.constant 9.99999991E-38 : f32
        %max3A_386 = vector.broadcast %max3A_385 : f32 to vector<16xf32>
        %max3A_387 = arith.maximumf %select_n3A_378, %max3A_386 : vector<16xf32>
        %bitcast_convert_type3A_388 = tpu.bitcast %max3A_387 : vector<16xf32> -> vector<16xi32>
        %add3A_389 = arith.constant 4913933 : i32
        %add3A_390 = vector.broadcast %add3A_389 : i32 to vector<16xi32>
        %add3A_391 = arith.addi %bitcast_convert_type3A_388, %add3A_390 : vector<16xi32>
        %shift_right_arithmetic3A_392 = arith.constant 23 : i32
        %shift_right_arithmetic3A_393 = vector.broadcast %shift_right_arithmetic3A_392 : i32 to vector<16xi32>
        %shift_right_arithmetic3A_394 = arith.shrsi %add3A_391, %shift_right_arithmetic3A_393 : vector<16xi32>
        %sub3A_395 = arith.constant 127 : i32
        %sub3A_396 = vector.broadcast %sub3A_395 : i32 to vector<16xi32>
        %sub3A_397 = arith.subi %shift_right_arithmetic3A_394, %sub3A_396 : vector<16xi32>
        %and3A_398 = arith.constant 8388607 : i32
        %and3A_399 = vector.broadcast %and3A_398 : i32 to vector<16xi32>
        %and3A_400 = arith.andi %add3A_391, %and3A_399 : vector<16xi32>
        %add3A_401 = arith.constant 1060439283 : i32
        %add3A_402 = vector.broadcast %add3A_401 : i32 to vector<16xi32>
        %add3A_403 = arith.addi %and3A_400, %add3A_402 : vector<16xi32>
        %bitcast_convert_type3A_404 = tpu.bitcast %add3A_403 : vector<16xi32> -> vector<16xf32>
        %sub3A_405 = arith.constant 1.000000e+00 : f32
        %sub3A_406 = vector.broadcast %sub3A_405 : f32 to vector<16xf32>
        %sub3A_407 = arith.subf %bitcast_convert_type3A_404, %sub3A_406 : vector<16xf32>
        %add3A_408 = arith.constant 2.000000e+00 : f32
        %add3A_409 = vector.broadcast %add3A_408 : f32 to vector<16xf32>
        %add3A_410 = arith.addf %add3A_409, %sub3A_407 : vector<16xf32>
        %div3A_411 = arith.divf %sub3A_407, %add3A_410 : vector<16xf32>
        %mul3A_412 = arith.mulf %div3A_411, %div3A_411 : vector<16xf32>
        %mul3A_413 = arith.mulf %mul3A_412, %mul3A_412 : vector<16xf32>
        %mul3A_414 = arith.constant 0.242790788 : f32
        %mul3A_415 = vector.broadcast %mul3A_414 : f32 to vector<16xf32>
        %mul3A_416 = arith.mulf %mul3A_413, %mul3A_415 : vector<16xf32>
        %add3A_417 = arith.constant 0.400009722 : f32
        %add3A_418 = vector.broadcast %add3A_417 : f32 to vector<16xf32>
        %add3A_419 = arith.addf %add3A_418, %mul3A_416 : vector<16xf32>
        %mul3A_420 = arith.mulf %mul3A_413, %add3A_419 : vector<16xf32>
        %mul3A_421 = arith.constant 0.284987867 : f32
        %mul3A_422 = vector.broadcast %mul3A_421 : f32 to vector<16xf32>
        %mul3A_423 = arith.mulf %mul3A_413, %mul3A_422 : vector<16xf32>
        %add3A_424 = arith.constant 0.666666627 : f32
        %add3A_425 = vector.broadcast %add3A_424 : f32 to vector<16xf32>
        %add3A_426 = arith.addf %add3A_425, %mul3A_423 : vector<16xf32>
        %mul3A_427 = arith.mulf %mul3A_412, %add3A_426 : vector<16xf32>
        %add3A_428 = arith.addf %mul3A_427, %mul3A_420 : vector<16xf32>
        %mul3A_429 = arith.constant 5.000000e-01 : f32
        %mul3A_430 = vector.broadcast %mul3A_429 : f32 to vector<16xf32>
        %mul3A_431 = arith.mulf %mul3A_430, %sub3A_407 : vector<16xf32>
        %mul3A_432 = arith.mulf %mul3A_431, %sub3A_407 : vector<16xf32>
        %add3A_433 = arith.addf %mul3A_432, %add3A_428 : vector<16xf32>
        %mul3A_434 = arith.mulf %div3A_411, %add3A_433 : vector<16xf32>
        %sub3A_435 = arith.subf %mul3A_432, %mul3A_434 : vector<16xf32>
        %sub3A_436 = arith.subf %sub3A_407, %sub3A_435 : vector<16xf32>
        %convert_element_type3A_437 = arith.sitofp %sub3A_397 : vector<16xi32> to vector<16xf32>
        %mul3A_438 = arith.constant 0.693147182 : f32
        %mul3A_439 = vector.broadcast %mul3A_438 : f32 to vector<16xf32>
        %mul3A_440 = arith.mulf %convert_element_type3A_437, %mul3A_439 : vector<16xf32>
        %add3A_441 = arith.addf %sub3A_436, %mul3A_440 : vector<16xf32>
        %and3A_442 = arith.andi %lt3A_352, %gt3A_380 : vector<16xi1>
        %lt3A_443 = arith.constant 9.99999988E-27 : f32
        %lt3A_444 = vector.broadcast %lt3A_443 : f32 to vector<16xf32>
        %lt3A_445 = arith.cmpf olt, %select_n3A_378, %lt3A_444 : vector<16xf32>
        %and3A_446 = arith.andi %and3A_442, %lt3A_445 : vector<16xi1>
        %broadcast_in_dim3A_447 = vector.broadcast %scan3A : f32 to vector<16xf32>
        %broadcast_in_dim3A_448 = vector.broadcast %scan3A_70 : f32 to vector<16xf32>
        %select_n3A_449 = arith.select %and3A_446, %broadcast_in_dim3A_447, %broadcast_in_dim3A_448 : vector<16xi1>, vector<16xf32>
        %add3A_450 = arith.addf %add3A_319, %select_n3A_378 : vector<16xf32>
        %add3A_451 = arith.addf %add3A_320, %select_n3A_373 : vector<16xf32>
        %mul3A_452 = arith.mulf %select_n3A_384, %add3A_441 : vector<16xf32>
        %add3A_453 = arith.addf %add3A_322, %mul3A_452 : vector<16xf32>
        %add3A_454 = arith.addf %add3A_323, %select_n3A_384 : vector<16xf32>
        %add3A_455 = arith.addf %add3A_324, %select_n3A_449 : vector<16xf32>
        %mul3A_456 = arith.constant 4 : i32
        %mul3A_457 = arith.muli %mul3A_456, %scan3A_190 : i32
        %add3A_458 = arith.constant 2 : i32
        %add3A_459 = arith.addi %mul3A_457, %add3A_458 : i32
        %mul3A_460 = arith.constant 16 : i32
        %mul3A_461 = arith.muli %add3A_459, %mul3A_460 : i32
        %get3A_462 = arith.index_cast %mul3A_461 : i32 to index
        %get3A_463 = tpu.vector_load %arg10[%get3A_462] {strides = array<i32>} : memref<2048xf32, #tpu.memory_space<vmem>>, vector<16xf32>,
        %get3A_464 = arith.index_cast %mul3A_461 : i32 to index
        %get3A_465 = tpu.vector_load %arg13[%get3A_464] {strides = array<i32>} : memref<2048xf32, #tpu.memory_space<vmem>>, vector<16xf32>,
        %sub3A_466 = arith.subf %get3A_463, %get3A_465 : vector<16xf32>
        %get3A_467 = arith.index_cast %mul3A_461 : i32 to index
        %get3A_468 = tpu.vector_load %arg11[%get3A_467] {strides = array<i32>} : memref<2048xf32, #tpu.memory_space<vmem>>, vector<16xf32>,
        %get3A_469 = arith.index_cast %mul3A_461 : i32 to index
        %get3A_470 = tpu.vector_load %arg14[%get3A_469] {strides = array<i32>} : memref<2048xf32, #tpu.memory_space<vmem>>, vector<16xf32>,
        %sub3A_471 = arith.subf %get3A_468, %get3A_470 : vector<16xf32>
        %get3A_472 = arith.index_cast %mul3A_461 : i32 to index
        %get3A_473 = tpu.vector_load %arg12[%get3A_472] {strides = array<i32>} : memref<2048xf32, #tpu.memory_space<vmem>>, vector<16xf32>,
        %get3A_474 = arith.index_cast %mul3A_461 : i32 to index
        %get3A_475 = tpu.vector_load %arg15[%get3A_474] {strides = array<i32>} : memref<2048xf32, #tpu.memory_space<vmem>>, vector<16xf32>,
        %sub3A_476 = arith.subf %get3A_473, %get3A_475 : vector<16xf32>
        %mul3A_477 = arith.mulf %sub3A_466, %sub3A_466 : vector<16xf32>
        %mul3A_478 = arith.mulf %sub3A_471, %sub3A_471 : vector<16xf32>
        %add3A_479 = arith.addf %mul3A_477, %mul3A_478 : vector<16xf32>
        %mul3A_480 = arith.mulf %sub3A_476, %sub3A_476 : vector<16xf32>
        %add3A_481 = arith.addf %add3A_479, %mul3A_480 : vector<16xf32>
        %lt3A_482 = vector.broadcast %reduce_sum3A_58 : f32 to vector<16xf32>
        %lt3A_483 = arith.cmpf olt, %add3A_481, %lt3A_482 : vector<16xf32>
        %mul3A_484 = vector.broadcast %reduce_sum3A_67 : f32 to vector<16xf32>
        %mul3A_485 = arith.mulf %add3A_481, %mul3A_484 : vector<16xf32>
        %get3A_486 = arith.index_cast %mul3A_461 : i32 to index
        %get3A_487 = tpu.vector_load %arg16[%get3A_486] {strides = array<i32>} : memref<2048xf32, #tpu.memory_space<vmem>>, vector<16xf32>,
        %get3A_488 = arith.index_cast %mul3A_461 : i32 to index
        %get3A_489 = tpu.vector_load %arg17[%get3A_488] {strides = array<i32>} : memref<2048xf32, #tpu.memory_space<vmem>>, vector<16xf32>,
        %sub3A_490 = arith.subf %get3A_487, %get3A_489 : vector<16xf32>
        %mul3A_491 = arith.constant 0.36787945 : f32
        %mul3A_492 = vector.broadcast %mul3A_491 : f32 to vector<16xf32>
        %mul3A_493 = arith.mulf %sub3A_490, %mul3A_492 : vector<16xf32>
        %mul3A_494 = arith.constant -5.000000e-01 : f32
        %mul3A_495 = vector.broadcast %mul3A_494 : f32 to vector<16xf32>
        %mul3A_496 = arith.mulf %mul3A_495, %mul3A_493 : vector<16xf32>
        %mul3A_497 = arith.mulf %mul3A_496, %mul3A_493 : vector<16xf32>
        %exp3A_498 = math.exp %mul3A_497 : vector<16xf32>
        %mul3A_499 = arith.constant 0.146762669 : f32
        %mul3A_500 = vector.broadcast %mul3A_499 : f32 to vector<16xf32>
        %mul3A_501 = arith.mulf %mul3A_500, %exp3A_498 : vector<16xf32>
        %broadcast_in_dim3A_502 = vector.broadcast %scan3A : f32 to vector<16xf32>
        %broadcast_in_dim3A_503 = vector.broadcast %scan3A_70 : f32 to vector<16xf32>
        %select_n3A_504 = arith.select %lt3A_483, %broadcast_in_dim3A_502, %broadcast_in_dim3A_503 : vector<16xi1>, vector<16xf32>
        %sub3A_505 = vector.broadcast %scan3A : f32 to vector<16xf32>
        %sub3A_506 = arith.subf %sub3A_505, %mul3A_485 : vector<16xf32>
        %mul3A_507 = arith.mulf %sub3A_506, %mul3A_501 : vector<16xf32>
        %broadcast_in_dim3A_508 = vector.broadcast %scan3A_70 : f32 to vector<16xf32>
        %select_n3A_509 = arith.select %lt3A_483, %mul3A_507, %broadcast_in_dim3A_508 : vector<16xi1>, vector<16xf32>
        %gt3A_510 = vector.broadcast %scan3A_70 : f32 to vector<16xf32>
        %gt3A_511 = arith.cmpf ogt, %select_n3A_509, %gt3A_510 : vector<16xf32>
        %and3A_512 = arith.andi %lt3A_483, %gt3A_511 : vector<16xi1>
        %broadcast_in_dim3A_513 = vector.broadcast %scan3A : f32 to vector<16xf32>
        %broadcast_in_dim3A_514 = vector.broadcast %scan3A_70 : f32 to vector<16xf32>
        %select_n3A_515 = arith.select %and3A_512, %broadcast_in_dim3A_513, %broadcast_in_dim3A_514 : vector<16xi1>, vector<16xf32>
        %max3A_516 = arith.constant 9.99999991E-38 : f32
        %max3A_517 = vector.broadcast %max3A_516 : f32 to vector<16xf32>
        %max3A_518 = arith.maximumf %select_n3A_509, %max3A_517 : vector<16xf32>
        %bitcast_convert_type3A_519 = tpu.bitcast %max3A_518 : vector<16xf32> -> vector<16xi32>
        %add3A_520 = arith.constant 4913933 : i32
        %add3A_521 = vector.broadcast %add3A_520 : i32 to vector<16xi32>
        %add3A_522 = arith.addi %bitcast_convert_type3A_519, %add3A_521 : vector<16xi32>
        %shift_right_arithmetic3A_523 = arith.constant 23 : i32
        %shift_right_arithmetic3A_524 = vector.broadcast %shift_right_arithmetic3A_523 : i32 to vector<16xi32>
        %shift_right_arithmetic3A_525 = arith.shrsi %add3A_522, %shift_right_arithmetic3A_524 : vector<16xi32>
        %sub3A_526 = arith.constant 127 : i32
        %sub3A_527 = vector.broadcast %sub3A_526 : i32 to vector<16xi32>
        %sub3A_528 = arith.subi %shift_right_arithmetic3A_525, %sub3A_527 : vector<16xi32>
        %and3A_529 = arith.constant 8388607 : i32
        %and3A_530 = vector.broadcast %and3A_529 : i32 to vector<16xi32>
        %and3A_531 = arith.andi %add3A_522, %and3A_530 : vector<16xi32>
        %add3A_532 = arith.constant 1060439283 : i32
        %add3A_533 = vector.broadcast %add3A_532 : i32 to vector<16xi32>
        %add3A_534 = arith.addi %and3A_531, %add3A_533 : vector<16xi32>
        %bitcast_convert_type3A_535 = tpu.bitcast %add3A_534 : vector<16xi32> -> vector<16xf32>
        %sub3A_536 = arith.constant 1.000000e+00 : f32
        %sub3A_537 = vector.broadcast %sub3A_536 : f32 to vector<16xf32>
        %sub3A_538 = arith.subf %bitcast_convert_type3A_535, %sub3A_537 : vector<16xf32>
        %add3A_539 = arith.constant 2.000000e+00 : f32
        %add3A_540 = vector.broadcast %add3A_539 : f32 to vector<16xf32>
        %add3A_541 = arith.addf %add3A_540, %sub3A_538 : vector<16xf32>
        %div3A_542 = arith.divf %sub3A_538, %add3A_541 : vector<16xf32>
        %mul3A_543 = arith.mulf %div3A_542, %div3A_542 : vector<16xf32>
        %mul3A_544 = arith.mulf %mul3A_543, %mul3A_543 : vector<16xf32>
        %mul3A_545 = arith.constant 0.242790788 : f32
        %mul3A_546 = vector.broadcast %mul3A_545 : f32 to vector<16xf32>
        %mul3A_547 = arith.mulf %mul3A_544, %mul3A_546 : vector<16xf32>
        %add3A_548 = arith.constant 0.400009722 : f32
        %add3A_549 = vector.broadcast %add3A_548 : f32 to vector<16xf32>
        %add3A_550 = arith.addf %add3A_549, %mul3A_547 : vector<16xf32>
        %mul3A_551 = arith.mulf %mul3A_544, %add3A_550 : vector<16xf32>
        %mul3A_552 = arith.constant 0.284987867 : f32
        %mul3A_553 = vector.broadcast %mul3A_552 : f32 to vector<16xf32>
        %mul3A_554 = arith.mulf %mul3A_544, %mul3A_553 : vector<16xf32>
        %add3A_555 = arith.constant 0.666666627 : f32
        %add3A_556 = vector.broadcast %add3A_555 : f32 to vector<16xf32>
        %add3A_557 = arith.addf %add3A_556, %mul3A_554 : vector<16xf32>
        %mul3A_558 = arith.mulf %mul3A_543, %add3A_557 : vector<16xf32>
        %add3A_559 = arith.addf %mul3A_558, %mul3A_551 : vector<16xf32>
        %mul3A_560 = arith.constant 5.000000e-01 : f32
        %mul3A_561 = vector.broadcast %mul3A_560 : f32 to vector<16xf32>
        %mul3A_562 = arith.mulf %mul3A_561, %sub3A_538 : vector<16xf32>
        %mul3A_563 = arith.mulf %mul3A_562, %sub3A_538 : vector<16xf32>
        %add3A_564 = arith.addf %mul3A_563, %add3A_559 : vector<16xf32>
        %mul3A_565 = arith.mulf %div3A_542, %add3A_564 : vector<16xf32>
        %sub3A_566 = arith.subf %mul3A_563, %mul3A_565 : vector<16xf32>
        %sub3A_567 = arith.subf %sub3A_538, %sub3A_566 : vector<16xf32>
        %convert_element_type3A_568 = arith.sitofp %sub3A_528 : vector<16xi32> to vector<16xf32>
        %mul3A_569 = arith.constant 0.693147182 : f32
        %mul3A_570 = vector.broadcast %mul3A_569 : f32 to vector<16xf32>
        %mul3A_571 = arith.mulf %convert_element_type3A_568, %mul3A_570 : vector<16xf32>
        %add3A_572 = arith.addf %sub3A_567, %mul3A_571 : vector<16xf32>
        %and3A_573 = arith.andi %lt3A_483, %gt3A_511 : vector<16xi1>
        %lt3A_574 = arith.constant 9.99999988E-27 : f32
        %lt3A_575 = vector.broadcast %lt3A_574 : f32 to vector<16xf32>
        %lt3A_576 = arith.cmpf olt, %select_n3A_509, %lt3A_575 : vector<16xf32>
        %and3A_577 = arith.andi %and3A_573, %lt3A_576 : vector<16xi1>
        %broadcast_in_dim3A_578 = vector.broadcast %scan3A : f32 to vector<16xf32>
        %broadcast_in_dim3A_579 = vector.broadcast %scan3A_70 : f32 to vector<16xf32>
        %select_n3A_580 = arith.select %and3A_577, %broadcast_in_dim3A_578, %broadcast_in_dim3A_579 : vector<16xi1>, vector<16xf32>
        %add3A_581 = arith.addf %add3A_450, %select_n3A_509 : vector<16xf32>
        %add3A_582 = arith.addf %add3A_451, %select_n3A_504 : vector<16xf32>
        %mul3A_583 = arith.mulf %select_n3A_515, %add3A_572 : vector<16xf32>
        %add3A_584 = arith.addf %add3A_453, %mul3A_583 : vector<16xf32>
        %add3A_585 = arith.addf %add3A_454, %select_n3A_515 : vector<16xf32>
        %add3A_586 = arith.addf %add3A_455, %select_n3A_580 : vector<16xf32>
        %mul3A_587 = arith.constant 4 : i32
        %mul3A_588 = arith.muli %mul3A_587, %scan3A_190 : i32
        %add3A_589 = arith.constant 3 : i32
        %add3A_590 = arith.addi %mul3A_588, %add3A_589 : i32
        %mul3A_591 = arith.constant 16 : i32
        %mul3A_592 = arith.muli %add3A_590, %mul3A_591 : i32
        %get3A_593 = arith.index_cast %mul3A_592 : i32 to index
        %get3A_594 = tpu.vector_load %arg10[%get3A_593] {strides = array<i32>} : memref<2048xf32, #tpu.memory_space<vmem>>, vector<16xf32>,
        %get3A_595 = arith.index_cast %mul3A_592 : i32 to index
        %get3A_596 = tpu.vector_load %arg13[%get3A_595] {strides = array<i32>} : memref<2048xf32, #tpu.memory_space<vmem>>, vector<16xf32>,
        %sub3A_597 = arith.subf %get3A_594, %get3A_596 : vector<16xf32>
        %get3A_598 = arith.index_cast %mul3A_592 : i32 to index
        %get3A_599 = tpu.vector_load %arg11[%get3A_598] {strides = array<i32>} : memref<2048xf32, #tpu.memory_space<vmem>>, vector<16xf32>,
        %get3A_600 = arith.index_cast %mul3A_592 : i32 to index
        %get3A_601 = tpu.vector_load %arg14[%get3A_600] {strides = array<i32>} : memref<2048xf32, #tpu.memory_space<vmem>>, vector<16xf32>,
        %sub3A_602 = arith.subf %get3A_599, %get3A_601 : vector<16xf32>
        %get3A_603 = arith.index_cast %mul3A_592 : i32 to index
        %get3A_604 = tpu.vector_load %arg12[%get3A_603] {strides = array<i32>} : memref<2048xf32, #tpu.memory_space<vmem>>, vector<16xf32>,
        %get3A_605 = arith.index_cast %mul3A_592 : i32 to index
        %get3A_606 = tpu.vector_load %arg15[%get3A_605] {strides = array<i32>} : memref<2048xf32, #tpu.memory_space<vmem>>, vector<16xf32>,
        %sub3A_607 = arith.subf %get3A_604, %get3A_606 : vector<16xf32>
        %mul3A_608 = arith.mulf %sub3A_597, %sub3A_597 : vector<16xf32>
        %mul3A_609 = arith.mulf %sub3A_602, %sub3A_602 : vector<16xf32>
        %add3A_610 = arith.addf %mul3A_608, %mul3A_609 : vector<16xf32>
        %mul3A_611 = arith.mulf %sub3A_607, %sub3A_607 : vector<16xf32>
        %add3A_612 = arith.addf %add3A_610, %mul3A_611 : vector<16xf32>
        %lt3A_613 = vector.broadcast %reduce_sum3A_58 : f32 to vector<16xf32>
        %lt3A_614 = arith.cmpf olt, %add3A_612, %lt3A_613 : vector<16xf32>
        %mul3A_615 = vector.broadcast %reduce_sum3A_67 : f32 to vector<16xf32>
        %mul3A_616 = arith.mulf %add3A_612, %mul3A_615 : vector<16xf32>
        %get3A_617 = arith.index_cast %mul3A_592 : i32 to index
        %get3A_618 = tpu.vector_load %arg16[%get3A_617] {strides = array<i32>} : memref<2048xf32, #tpu.memory_space<vmem>>, vector<16xf32>,
        %get3A_619 = arith.index_cast %mul3A_592 : i32 to index
        %get3A_620 = tpu.vector_load %arg17[%get3A_619] {strides = array<i32>} : memref<2048xf32, #tpu.memory_space<vmem>>, vector<16xf32>,
        %sub3A_621 = arith.subf %get3A_618, %get3A_620 : vector<16xf32>
        %mul3A_622 = arith.constant 0.36787945 : f32
        %mul3A_623 = vector.broadcast %mul3A_622 : f32 to vector<16xf32>
        %mul3A_624 = arith.mulf %sub3A_621, %mul3A_623 : vector<16xf32>
        %mul3A_625 = arith.constant -5.000000e-01 : f32
        %mul3A_626 = vector.broadcast %mul3A_625 : f32 to vector<16xf32>
        %mul3A_627 = arith.mulf %mul3A_626, %mul3A_624 : vector<16xf32>
        %mul3A_628 = arith.mulf %mul3A_627, %mul3A_624 : vector<16xf32>
        %exp3A_629 = math.exp %mul3A_628 : vector<16xf32>
        %mul3A_630 = arith.constant 0.146762669 : f32
        %mul3A_631 = vector.broadcast %mul3A_630 : f32 to vector<16xf32>
        %mul3A_632 = arith.mulf %mul3A_631, %exp3A_629 : vector<16xf32>
        %broadcast_in_dim3A_633 = vector.broadcast %scan3A : f32 to vector<16xf32>
        %broadcast_in_dim3A_634 = vector.broadcast %scan3A_70 : f32 to vector<16xf32>
        %select_n3A_635 = arith.select %lt3A_614, %broadcast_in_dim3A_633, %broadcast_in_dim3A_634 : vector<16xi1>, vector<16xf32>
        %sub3A_636 = vector.broadcast %scan3A : f32 to vector<16xf32>
        %sub3A_637 = arith.subf %sub3A_636, %mul3A_616 : vector<16xf32>
        %mul3A_638 = arith.mulf %sub3A_637, %mul3A_632 : vector<16xf32>
        %broadcast_in_dim3A_639 = vector.broadcast %scan3A_70 : f32 to vector<16xf32>
        %select_n3A_640 = arith.select %lt3A_614, %mul3A_638, %broadcast_in_dim3A_639 : vector<16xi1>, vector<16xf32>
        %gt3A_641 = vector.broadcast %scan3A_70 : f32 to vector<16xf32>
        %gt3A_642 = arith.cmpf ogt, %select_n3A_640, %gt3A_641 : vector<16xf32>
        %and3A_643 = arith.andi %lt3A_614, %gt3A_642 : vector<16xi1>
        %broadcast_in_dim3A_644 = vector.broadcast %scan3A : f32 to vector<16xf32>
        %broadcast_in_dim3A_645 = vector.broadcast %scan3A_70 : f32 to vector<16xf32>
        %select_n3A_646 = arith.select %and3A_643, %broadcast_in_dim3A_644, %broadcast_in_dim3A_645 : vector<16xi1>, vector<16xf32>
        %max3A_647 = arith.constant 9.99999991E-38 : f32
        %max3A_648 = vector.broadcast %max3A_647 : f32 to vector<16xf32>
        %max3A_649 = arith.maximumf %select_n3A_640, %max3A_648 : vector<16xf32>
        %bitcast_convert_type3A_650 = tpu.bitcast %max3A_649 : vector<16xf32> -> vector<16xi32>
        %add3A_651 = arith.constant 4913933 : i32
        %add3A_652 = vector.broadcast %add3A_651 : i32 to vector<16xi32>
        %add3A_653 = arith.addi %bitcast_convert_type3A_650, %add3A_652 : vector<16xi32>
        %shift_right_arithmetic3A_654 = arith.constant 23 : i32
        %shift_right_arithmetic3A_655 = vector.broadcast %shift_right_arithmetic3A_654 : i32 to vector<16xi32>
        %shift_right_arithmetic3A_656 = arith.shrsi %add3A_653, %shift_right_arithmetic3A_655 : vector<16xi32>
        %sub3A_657 = arith.constant 127 : i32
        %sub3A_658 = vector.broadcast %sub3A_657 : i32 to vector<16xi32>
        %sub3A_659 = arith.subi %shift_right_arithmetic3A_656, %sub3A_658 : vector<16xi32>
        %and3A_660 = arith.constant 8388607 : i32
        %and3A_661 = vector.broadcast %and3A_660 : i32 to vector<16xi32>
        %and3A_662 = arith.andi %add3A_653, %and3A_661 : vector<16xi32>
        %add3A_663 = arith.constant 1060439283 : i32
        %add3A_664 = vector.broadcast %add3A_663 : i32 to vector<16xi32>
        %add3A_665 = arith.addi %and3A_662, %add3A_664 : vector<16xi32>
        %bitcast_convert_type3A_666 = tpu.bitcast %add3A_665 : vector<16xi32> -> vector<16xf32>
        %sub3A_667 = arith.constant 1.000000e+00 : f32
        %sub3A_668 = vector.broadcast %sub3A_667 : f32 to vector<16xf32>
        %sub3A_669 = arith.subf %bitcast_convert_type3A_666, %sub3A_668 : vector<16xf32>
        %add3A_670 = arith.constant 2.000000e+00 : f32
        %add3A_671 = vector.broadcast %add3A_670 : f32 to vector<16xf32>
        %add3A_672 = arith.addf %add3A_671, %sub3A_669 : vector<16xf32>
        %div3A_673 = arith.divf %sub3A_669, %add3A_672 : vector<16xf32>
        %mul3A_674 = arith.mulf %div3A_673, %div3A_673 : vector<16xf32>
        %mul3A_675 = arith.mulf %mul3A_674, %mul3A_674 : vector<16xf32>
        %mul3A_676 = arith.constant 0.242790788 : f32
        %mul3A_677 = vector.broadcast %mul3A_676 : f32 to vector<16xf32>
        %mul3A_678 = arith.mulf %mul3A_675, %mul3A_677 : vector<16xf32>
        %add3A_679 = arith.constant 0.400009722 : f32
        %add3A_680 = vector.broadcast %add3A_679 : f32 to vector<16xf32>
        %add3A_681 = arith.addf %add3A_680, %mul3A_678 : vector<16xf32>
        %mul3A_682 = arith.mulf %mul3A_675, %add3A_681 : vector<16xf32>
        %mul3A_683 = arith.constant 0.284987867 : f32
        %mul3A_684 = vector.broadcast %mul3A_683 : f32 to vector<16xf32>
        %mul3A_685 = arith.mulf %mul3A_675, %mul3A_684 : vector<16xf32>
        %add3A_686 = arith.constant 0.666666627 : f32
        %add3A_687 = vector.broadcast %add3A_686 : f32 to vector<16xf32>
        %add3A_688 = arith.addf %add3A_687, %mul3A_685 : vector<16xf32>
        %mul3A_689 = arith.mulf %mul3A_674, %add3A_688 : vector<16xf32>
        %add3A_690 = arith.addf %mul3A_689, %mul3A_682 : vector<16xf32>
        %mul3A_691 = arith.constant 5.000000e-01 : f32
        %mul3A_692 = vector.broadcast %mul3A_691 : f32 to vector<16xf32>
        %mul3A_693 = arith.mulf %mul3A_692, %sub3A_669 : vector<16xf32>
        %mul3A_694 = arith.mulf %mul3A_693, %sub3A_669 : vector<16xf32>
        %add3A_695 = arith.addf %mul3A_694, %add3A_690 : vector<16xf32>
        %mul3A_696 = arith.mulf %div3A_673, %add3A_695 : vector<16xf32>
        %sub3A_697 = arith.subf %mul3A_694, %mul3A_696 : vector<16xf32>
        %sub3A_698 = arith.subf %sub3A_669, %sub3A_697 : vector<16xf32>
        %convert_element_type3A_699 = arith.sitofp %sub3A_659 : vector<16xi32> to vector<16xf32>
        %mul3A_700 = arith.constant 0.693147182 : f32
        %mul3A_701 = vector.broadcast %mul3A_700 : f32 to vector<16xf32>
        %mul3A_702 = arith.mulf %convert_element_type3A_699, %mul3A_701 : vector<16xf32>
        %add3A_703 = arith.addf %sub3A_698, %mul3A_702 : vector<16xf32>
        %and3A_704 = arith.andi %lt3A_614, %gt3A_642 : vector<16xi1>
        %lt3A_705 = arith.constant 9.99999988E-27 : f32
        %lt3A_706 = vector.broadcast %lt3A_705 : f32 to vector<16xf32>
        %lt3A_707 = arith.cmpf olt, %select_n3A_640, %lt3A_706 : vector<16xf32>
        %and3A_708 = arith.andi %and3A_704, %lt3A_707 : vector<16xi1>
        %broadcast_in_dim3A_709 = vector.broadcast %scan3A : f32 to vector<16xf32>
        %broadcast_in_dim3A_710 = vector.broadcast %scan3A_70 : f32 to vector<16xf32>
        %select_n3A_711 = arith.select %and3A_708, %broadcast_in_dim3A_709, %broadcast_in_dim3A_710 : vector<16xi1>, vector<16xf32>
        %add3A_712 = arith.addf %add3A_581, %select_n3A_640 : vector<16xf32>
        %add3A_713 = arith.addf %add3A_582, %select_n3A_635 : vector<16xf32>
        %mul3A_714 = arith.mulf %select_n3A_646, %add3A_703 : vector<16xf32>
        %add3A_715 = arith.addf %add3A_584, %mul3A_714 : vector<16xf32>
        %add3A_716 = arith.addf %add3A_585, %select_n3A_646 : vector<16xf32>
        %add3A_717 = arith.addf %add3A_586, %select_n3A_711 : vector<16xf32>
        scf.yield %add3A_712, %add3A_713, %add3A_715, %add3A_716, %add3A_717 : vector<16xf32>, vector<16xf32>, vector<16xf32>, vector<16xf32>, vector<16xf32>
      }
      %scan3A_76 = arith.constant 32 : i32
      %reduce_sum3A_77 = arith.constant true
      %reduce_sum3A_78 = vector.broadcast %reduce_sum3A_77 : i1 to vector<16xi1>
      %reduce_sum3A_79 = tpu.scan <sum>, %scan3A_75#0 masked %reduce_sum3A_78 : vector<16xf32>, vector<16xi1> -> vector<16xf32>
      %reduce_sum3A_80 = vector.extract %reduce_sum3A_79[15] : f32 from vector<16xf32>
      %reduce_sum3A_81 = arith.constant true
      %reduce_sum3A_82 = vector.broadcast %reduce_sum3A_81 : i1 to vector<16xi1>
      %reduce_sum3A_83 = tpu.scan <sum>, %scan3A_75#1 masked %reduce_sum3A_82 : vector<16xf32>, vector<16xi1> -> vector<16xf32>
      %reduce_sum3A_84 = vector.extract %reduce_sum3A_83[15] : f32 from vector<16xf32>
      %reduce_sum3A_85 = arith.constant true
      %reduce_sum3A_86 = vector.broadcast %reduce_sum3A_85 : i1 to vector<16xi1>
      %reduce_sum3A_87 = tpu.scan <sum>, %scan3A_75#3 masked %reduce_sum3A_86 : vector<16xf32>, vector<16xi1> -> vector<16xf32>
      %reduce_sum3A_88 = vector.extract %reduce_sum3A_87[15] : f32 from vector<16xf32>
      %reduce_sum3A_89 = arith.constant true
      %reduce_sum3A_90 = vector.broadcast %reduce_sum3A_89 : i1 to vector<16xi1>
      %reduce_sum3A_91 = tpu.scan <sum>, %scan3A_75#4 masked %reduce_sum3A_90 : vector<16xf32>, vector<16xi1> -> vector<16xf32>
      %reduce_sum3A_92 = vector.extract %reduce_sum3A_91[15] : f32 from vector<16xf32>
      %max3A = arith.constant 1.000000e-30 : f32
      %max3A_93 = arith.maximumf %reduce_sum3A_80, %max3A : f32
      %sub3A = arith.subf %reduce_sum3A_84, %reduce_sum3A_88 : f32
      %broadcast_in_dim3A_94 = arith.constant 0.000000e+00 : f32
      %broadcast_in_dim3A_95 = vector.broadcast %broadcast_in_dim3A_94 : f32 to vector<16xf32>
      %add3A_96 = vector.broadcast %max3A_93 : f32 to vector<16xf32>
      %add3A_97 = arith.addf %broadcast_in_dim3A_95, %add3A_96 : vector<16xf32>
      %bitcast_convert_type3A = tpu.bitcast %add3A_97 : vector<16xf32> -> vector<16xi32>
      %add3A_98 = arith.constant 4913933 : i32
      %add3A_99 = vector.broadcast %add3A_98 : i32 to vector<16xi32>
      %add3A_100 = arith.addi %bitcast_convert_type3A, %add3A_99 : vector<16xi32>
      %shift_right_arithmetic3A = arith.constant 23 : i32
      %shift_right_arithmetic3A_101 = vector.broadcast %shift_right_arithmetic3A : i32 to vector<16xi32>
      %shift_right_arithmetic3A_102 = arith.shrsi %add3A_100, %shift_right_arithmetic3A_101 : vector<16xi32>
      %sub3A_103 = arith.constant 127 : i32
      %sub3A_104 = vector.broadcast %sub3A_103 : i32 to vector<16xi32>
      %sub3A_105 = arith.subi %shift_right_arithmetic3A_102, %sub3A_104 : vector<16xi32>
      %and3A = arith.constant 8388607 : i32
      %and3A_106 = vector.broadcast %and3A : i32 to vector<16xi32>
      %and3A_107 = arith.andi %add3A_100, %and3A_106 : vector<16xi32>
      %add3A_108 = arith.constant 1060439283 : i32
      %add3A_109 = vector.broadcast %add3A_108 : i32 to vector<16xi32>
      %add3A_110 = arith.addi %and3A_107, %add3A_109 : vector<16xi32>
      %bitcast_convert_type3A_111 = tpu.bitcast %add3A_110 : vector<16xi32> -> vector<16xf32>
      %sub3A_112 = arith.constant 1.000000e+00 : f32
      %sub3A_113 = vector.broadcast %sub3A_112 : f32 to vector<16xf32>
      %sub3A_114 = arith.subf %bitcast_convert_type3A_111, %sub3A_113 : vector<16xf32>
      %add3A_115 = arith.constant 2.000000e+00 : f32
      %add3A_116 = vector.broadcast %add3A_115 : f32 to vector<16xf32>
      %add3A_117 = arith.addf %add3A_116, %sub3A_114 : vector<16xf32>
      %div3A_118 = arith.divf %sub3A_114, %add3A_117 : vector<16xf32>
      %mul3A_119 = arith.mulf %div3A_118, %div3A_118 : vector<16xf32>
      %mul3A_120 = arith.mulf %mul3A_119, %mul3A_119 : vector<16xf32>
      %mul3A_121 = arith.constant 0.242790788 : f32
      %mul3A_122 = vector.broadcast %mul3A_121 : f32 to vector<16xf32>
      %mul3A_123 = arith.mulf %mul3A_120, %mul3A_122 : vector<16xf32>
      %add3A_124 = arith.constant 0.400009722 : f32
      %add3A_125 = vector.broadcast %add3A_124 : f32 to vector<16xf32>
      %add3A_126 = arith.addf %add3A_125, %mul3A_123 : vector<16xf32>
      %mul3A_127 = arith.mulf %mul3A_120, %add3A_126 : vector<16xf32>
      %mul3A_128 = arith.constant 0.284987867 : f32
      %mul3A_129 = vector.broadcast %mul3A_128 : f32 to vector<16xf32>
      %mul3A_130 = arith.mulf %mul3A_120, %mul3A_129 : vector<16xf32>
      %add3A_131 = arith.constant 0.666666627 : f32
      %add3A_132 = vector.broadcast %add3A_131 : f32 to vector<16xf32>
      %add3A_133 = arith.addf %add3A_132, %mul3A_130 : vector<16xf32>
      %mul3A_134 = arith.mulf %mul3A_119, %add3A_133 : vector<16xf32>
      %add3A_135 = arith.addf %mul3A_134, %mul3A_127 : vector<16xf32>
      %mul3A_136 = arith.constant 5.000000e-01 : f32
      %mul3A_137 = vector.broadcast %mul3A_136 : f32 to vector<16xf32>
      %mul3A_138 = arith.mulf %mul3A_137, %sub3A_114 : vector<16xf32>
      %mul3A_139 = arith.mulf %mul3A_138, %sub3A_114 : vector<16xf32>
      %add3A_140 = arith.addf %mul3A_139, %add3A_135 : vector<16xf32>
      %mul3A_141 = arith.mulf %div3A_118, %add3A_140 : vector<16xf32>
      %sub3A_142 = arith.subf %mul3A_139, %mul3A_141 : vector<16xf32>
      %sub3A_143 = arith.subf %sub3A_114, %sub3A_142 : vector<16xf32>
      %convert_element_type3A_144 = arith.sitofp %sub3A_105 : vector<16xi32> to vector<16xf32>
      %mul3A_145 = arith.constant 0.693147182 : f32
      %mul3A_146 = vector.broadcast %mul3A_145 : f32 to vector<16xf32>
      %mul3A_147 = arith.mulf %convert_element_type3A_144, %mul3A_146 : vector<16xf32>
      %add3A_148 = arith.addf %sub3A_143, %mul3A_147 : vector<16xf32>
      %reduce_max3A = arith.constant true
      %reduce_max3A_149 = vector.broadcast %reduce_max3A : i1 to vector<16xi1>
      %reduce_max3A_150 = tpu.scan <max>, %add3A_148 masked %reduce_max3A_149 : vector<16xf32>, vector<16xi1> -> vector<16xf32>
      %reduce_max3A_151 = vector.extract %reduce_max3A_150[15] : f32 from vector<16xf32>
      %reduce_sum3A_152 = arith.constant true
      %reduce_sum3A_153 = vector.broadcast %reduce_sum3A_152 : i1 to vector<16xi1>
      %reduce_sum3A_154 = tpu.scan <sum>, %scan3A_75#2 masked %reduce_sum3A_153 : vector<16xf32>, vector<16xi1> -> vector<16xf32>
      %reduce_sum3A_155 = vector.extract %reduce_sum3A_154[15] : f32 from vector<16xf32>
      %mul3A_156 = arith.mulf %reduce_sum3A_88, %reduce_max3A_151 : f32
      %sub3A_157 = arith.subf %reduce_sum3A_155, %mul3A_156 : f32
      %mul3A_158 = arith.constant -69.0775528 : f32
      %mul3A_159 = arith.mulf %sub3A, %mul3A_158 : f32
      %add3A_160 = arith.addf %sub3A_157, %mul3A_159 : f32
      %gt3A = arith.constant 0.000000e+00 : f32
      %gt3A_161 = arith.cmpf ogt, %reduce_sum3A_92, %gt3A : f32
      %lt3A_162 = arith.constant 9.99999997E-7 : f32
      %lt3A_163 = arith.cmpf olt, %max3A_93, %lt3A_162 : f32
      %or3A = arith.ori %gt3A_161, %lt3A_163 : i1
      %convert_element_type3A_164 = arith.extui %or3A : i1 to i32
      %cond3A_165 = arith.constant 1.000000e+00 : f32
      %cond3A_166 = arith.constant 0.000000e+00 : f32
      %cond3A_167 = arith.constant 0.000000e+00 : f32
      %cond3A_168 = arith.constant 0 : i32
      %cond3A_169 = arith.cmpi ne, %convert_element_type3A_164, %cond3A_168 : i32
      %cond3A_170 = scf.if %cond3A_169 -> (f32) {
        %scan3A_190 = arith.constant 0 : i32
        %scan3A_191 = arith.constant 128 : i32
        %scan3A_192 = arith.addi %scan3A_190, %scan3A_191 : i32
        %scan3A_193 = arith.constant 1 : i32
        %scan3A_194 = scf.for %scan3A_200 = %scan3A_190 to %scan3A_192 step %scan3A_193 iter_args(%scan3A_201 = %broadcast_in_dim3A_69) -> (vector<16xf32>)  : i32 {
          %mul3A_202 = arith.constant 16 : i32
          %mul3A_203 = arith.muli %scan3A_200, %mul3A_202 : i32
          %get3A_204 = arith.index_cast %mul3A_203 : i32 to index
          %get3A_205 = tpu.vector_load %arg10[%get3A_204] {strides = array<i32>} : memref<2048xf32, #tpu.memory_space<vmem>>, vector<16xf32>,
          %get3A_206 = arith.index_cast %mul3A_203 : i32 to index
          %get3A_207 = tpu.vector_load %arg13[%get3A_206] {strides = array<i32>} : memref<2048xf32, #tpu.memory_space<vmem>>, vector<16xf32>,
          %sub3A_208 = arith.subf %get3A_205, %get3A_207 : vector<16xf32>
          %get3A_209 = arith.index_cast %mul3A_203 : i32 to index
          %get3A_210 = tpu.vector_load %arg11[%get3A_209] {strides = array<i32>} : memref<2048xf32, #tpu.memory_space<vmem>>, vector<16xf32>,
          %get3A_211 = arith.index_cast %mul3A_203 : i32 to index
          %get3A_212 = tpu.vector_load %arg14[%get3A_211] {strides = array<i32>} : memref<2048xf32, #tpu.memory_space<vmem>>, vector<16xf32>,
          %sub3A_213 = arith.subf %get3A_210, %get3A_212 : vector<16xf32>
          %get3A_214 = arith.index_cast %mul3A_203 : i32 to index
          %get3A_215 = tpu.vector_load %arg12[%get3A_214] {strides = array<i32>} : memref<2048xf32, #tpu.memory_space<vmem>>, vector<16xf32>,
          %get3A_216 = arith.index_cast %mul3A_203 : i32 to index
          %get3A_217 = tpu.vector_load %arg15[%get3A_216] {strides = array<i32>} : memref<2048xf32, #tpu.memory_space<vmem>>, vector<16xf32>,
          %sub3A_218 = arith.subf %get3A_215, %get3A_217 : vector<16xf32>
          %mul3A_219 = arith.mulf %sub3A_208, %sub3A_208 : vector<16xf32>
          %mul3A_220 = arith.mulf %sub3A_213, %sub3A_213 : vector<16xf32>
          %add3A_221 = arith.addf %mul3A_219, %mul3A_220 : vector<16xf32>
          %mul3A_222 = arith.mulf %sub3A_218, %sub3A_218 : vector<16xf32>
          %add3A_223 = arith.addf %add3A_221, %mul3A_222 : vector<16xf32>
          %lt3A_224 = vector.broadcast %reduce_sum3A_58 : f32 to vector<16xf32>
          %lt3A_225 = arith.cmpf olt, %add3A_223, %lt3A_224 : vector<16xf32>
          %get3A_226 = arith.index_cast %mul3A_203 : i32 to index
          %get3A_227 = tpu.vector_load %arg16[%get3A_226] {strides = array<i32>} : memref<2048xf32, #tpu.memory_space<vmem>>, vector<16xf32>,
          %get3A_228 = arith.index_cast %mul3A_203 : i32 to index
          %get3A_229 = tpu.vector_load %arg17[%get3A_228] {strides = array<i32>} : memref<2048xf32, #tpu.memory_space<vmem>>, vector<16xf32>,
          %sub3A_230 = arith.subf %get3A_227, %get3A_229 : vector<16xf32>
          %mul3A_231 = arith.constant 0.36787945 : f32
          %mul3A_232 = vector.broadcast %mul3A_231 : f32 to vector<16xf32>
          %mul3A_233 = arith.mulf %sub3A_230, %mul3A_232 : vector<16xf32>
          %mul3A_234 = arith.constant -5.000000e-01 : f32
          %mul3A_235 = vector.broadcast %mul3A_234 : f32 to vector<16xf32>
          %mul3A_236 = arith.mulf %mul3A_235, %mul3A_233 : vector<16xf32>
          %mul3A_237 = arith.mulf %mul3A_236, %mul3A_233 : vector<16xf32>
          %exp3A_238 = math.exp %mul3A_237 : vector<16xf32>
          %mul3A_239 = arith.constant 0.146762669 : f32
          %mul3A_240 = vector.broadcast %mul3A_239 : f32 to vector<16xf32>
          %mul3A_241 = arith.mulf %mul3A_240, %exp3A_238 : vector<16xf32>
          %mul3A_242 = vector.broadcast %reduce_sum3A_67 : f32 to vector<16xf32>
          %mul3A_243 = arith.mulf %add3A_223, %mul3A_242 : vector<16xf32>
          %sub3A_244 = vector.broadcast %cond3A_165 : f32 to vector<16xf32>
          %sub3A_245 = arith.subf %sub3A_244, %mul3A_243 : vector<16xf32>
          %mul3A_246 = arith.mulf %sub3A_245, %mul3A_241 : vector<16xf32>
          %broadcast_in_dim3A_247 = vector.broadcast %cond3A_166 : f32 to vector<16xf32>
          %select_n3A_248 = arith.select %lt3A_225, %mul3A_246, %broadcast_in_dim3A_247 : vector<16xi1>, vector<16xf32>
          %broadcast_in_dim3A_249 = vector.broadcast %cond3A_165 : f32 to vector<16xf32>
          %broadcast_in_dim3A_250 = vector.broadcast %cond3A_166 : f32 to vector<16xf32>
          %select_n3A_251 = arith.select %lt3A_225, %broadcast_in_dim3A_249, %broadcast_in_dim3A_250 : vector<16xi1>, vector<16xf32>
          %div3A_252 = vector.broadcast %max3A_93 : f32 to vector<16xf32>
          %div3A_253 = arith.divf %select_n3A_248, %div3A_252 : vector<16xf32>
          %max3A_254 = arith.constant 1.000000e-30 : f32
          %max3A_255 = vector.broadcast %max3A_254 : f32 to vector<16xf32>
          %max3A_256 = arith.maximumf %div3A_253, %max3A_255 : vector<16xf32>
          %bitcast_convert_type3A_257 = tpu.bitcast %max3A_256 : vector<16xf32> -> vector<16xi32>
          %add3A_258 = arith.constant 4913933 : i32
          %add3A_259 = vector.broadcast %add3A_258 : i32 to vector<16xi32>
          %add3A_260 = arith.addi %bitcast_convert_type3A_257, %add3A_259 : vector<16xi32>
          %shift_right_arithmetic3A_261 = arith.constant 23 : i32
          %shift_right_arithmetic3A_262 = vector.broadcast %shift_right_arithmetic3A_261 : i32 to vector<16xi32>
          %shift_right_arithmetic3A_263 = arith.shrsi %add3A_260, %shift_right_arithmetic3A_262 : vector<16xi32>
          %sub3A_264 = arith.constant 127 : i32
          %sub3A_265 = vector.broadcast %sub3A_264 : i32 to vector<16xi32>
          %sub3A_266 = arith.subi %shift_right_arithmetic3A_263, %sub3A_265 : vector<16xi32>
          %and3A_267 = arith.constant 8388607 : i32
          %and3A_268 = vector.broadcast %and3A_267 : i32 to vector<16xi32>
          %and3A_269 = arith.andi %add3A_260, %and3A_268 : vector<16xi32>
          %add3A_270 = arith.constant 1060439283 : i32
          %add3A_271 = vector.broadcast %add3A_270 : i32 to vector<16xi32>
          %add3A_272 = arith.addi %and3A_269, %add3A_271 : vector<16xi32>
          %bitcast_convert_type3A_273 = tpu.bitcast %add3A_272 : vector<16xi32> -> vector<16xf32>
          %sub3A_274 = arith.constant 1.000000e+00 : f32
          %sub3A_275 = vector.broadcast %sub3A_274 : f32 to vector<16xf32>
          %sub3A_276 = arith.subf %bitcast_convert_type3A_273, %sub3A_275 : vector<16xf32>
          %add3A_277 = arith.constant 2.000000e+00 : f32
          %add3A_278 = vector.broadcast %add3A_277 : f32 to vector<16xf32>
          %add3A_279 = arith.addf %add3A_278, %sub3A_276 : vector<16xf32>
          %div3A_280 = arith.divf %sub3A_276, %add3A_279 : vector<16xf32>
          %mul3A_281 = arith.mulf %div3A_280, %div3A_280 : vector<16xf32>
          %mul3A_282 = arith.mulf %mul3A_281, %mul3A_281 : vector<16xf32>
          %mul3A_283 = arith.constant 0.242790788 : f32
          %mul3A_284 = vector.broadcast %mul3A_283 : f32 to vector<16xf32>
          %mul3A_285 = arith.mulf %mul3A_282, %mul3A_284 : vector<16xf32>
          %add3A_286 = arith.constant 0.400009722 : f32
          %add3A_287 = vector.broadcast %add3A_286 : f32 to vector<16xf32>
          %add3A_288 = arith.addf %add3A_287, %mul3A_285 : vector<16xf32>
          %mul3A_289 = arith.mulf %mul3A_282, %add3A_288 : vector<16xf32>
          %mul3A_290 = arith.constant 0.284987867 : f32
          %mul3A_291 = vector.broadcast %mul3A_290 : f32 to vector<16xf32>
          %mul3A_292 = arith.mulf %mul3A_282, %mul3A_291 : vector<16xf32>
          %add3A_293 = arith.constant 0.666666627 : f32
          %add3A_294 = vector.broadcast %add3A_293 : f32 to vector<16xf32>
          %add3A_295 = arith.addf %add3A_294, %mul3A_292 : vector<16xf32>
          %mul3A_296 = arith.mulf %mul3A_281, %add3A_295 : vector<16xf32>
          %add3A_297 = arith.addf %mul3A_296, %mul3A_289 : vector<16xf32>
          %mul3A_298 = arith.constant 5.000000e-01 : f32
          %mul3A_299 = vector.broadcast %mul3A_298 : f32 to vector<16xf32>
          %mul3A_300 = arith.mulf %mul3A_299, %sub3A_276 : vector<16xf32>
          %mul3A_301 = arith.mulf %mul3A_300, %sub3A_276 : vector<16xf32>
          %add3A_302 = arith.addf %mul3A_301, %add3A_297 : vector<16xf32>
          %mul3A_303 = arith.mulf %div3A_280, %add3A_302 : vector<16xf32>
          %sub3A_304 = arith.subf %mul3A_301, %mul3A_303 : vector<16xf32>
          %sub3A_305 = arith.subf %sub3A_276, %sub3A_304 : vector<16xf32>
          %convert_element_type3A_306 = arith.sitofp %sub3A_266 : vector<16xi32> to vector<16xf32>
          %mul3A_307 = arith.constant 0.693147182 : f32
          %mul3A_308 = vector.broadcast %mul3A_307 : f32 to vector<16xf32>
          %mul3A_309 = arith.mulf %convert_element_type3A_306, %mul3A_308 : vector<16xf32>
          %add3A_310 = arith.addf %sub3A_305, %mul3A_309 : vector<16xf32>
          %mul3A_311 = arith.mulf %select_n3A_251, %add3A_310 : vector<16xf32>
          %add3A_312 = arith.addf %scan3A_201, %mul3A_311 : vector<16xf32>
          scf.yield %add3A_312 : vector<16xf32>
        }
        %scan3A_195 = arith.constant 128 : i32
        %reduce_sum3A_196 = arith.constant true
        %reduce_sum3A_197 = vector.broadcast %reduce_sum3A_196 : i1 to vector<16xi1>
        %reduce_sum3A_198 = tpu.scan <sum>, %scan3A_194 masked %reduce_sum3A_197 : vector<16xf32>, vector<16xi1> -> vector<16xf32>
        %reduce_sum3A_199 = vector.extract %reduce_sum3A_198[15] : f32 from vector<16xf32>
        scf.yield %reduce_sum3A_199 : f32
      } else {
        scf.yield %add3A_160 : f32
      }
      %jit3A_171 = arith.constant 0.000000e+00 : f32
      %broadcast_in_dim3A_172 = vector.broadcast %reduce_sum3A_80 : f32 to vector<16xf32>
      %broadcast_in_dim3A_173 = vector.broadcast %jit3A_171 : f32 to vector<16xf32>
      %select_n3A_174 = arith.select %eq3A_48, %broadcast_in_dim3A_172, %broadcast_in_dim3A_173 : vector<16xi1>, vector<16xf32>
      %swap3A = arith.constant 0 : index
      %swap3A_175 = tpu.vector_load %arg19[%swap3A] {strides = array<i32>} : memref<16xf32, #tpu.memory_space<vmem>>, vector<16xf32>,
      tpu.vector_store %arg19[%swap3A], %select_n3A_174 {strides = array<i32>} : memref<16xf32, #tpu.memory_space<vmem>>, vector<16xf32>,
      %jit3A_176 = arith.constant 0.000000e+00 : f32
      %broadcast_in_dim3A_177 = vector.broadcast %reduce_sum3A_84 : f32 to vector<16xf32>
      %broadcast_in_dim3A_178 = vector.broadcast %jit3A_176 : f32 to vector<16xf32>
      %select_n3A_179 = arith.select %eq3A_48, %broadcast_in_dim3A_177, %broadcast_in_dim3A_178 : vector<16xi1>, vector<16xf32>
      %swap3A_180 = arith.constant 0 : index
      %swap3A_181 = tpu.vector_load %arg20[%swap3A_180] {strides = array<i32>} : memref<16xf32, #tpu.memory_space<vmem>>, vector<16xf32>,
      tpu.vector_store %arg20[%swap3A_180], %select_n3A_179 {strides = array<i32>} : memref<16xf32, #tpu.memory_space<vmem>>, vector<16xf32>,
      %jit3A_182 = arith.constant 0.000000e+00 : f32
      %broadcast_in_dim3A_183 = vector.broadcast %cond3A_170 : f32 to vector<16xf32>
      %broadcast_in_dim3A_184 = vector.broadcast %jit3A_182 : f32 to vector<16xf32>
      %select_n3A_185 = arith.select %eq3A_48, %broadcast_in_dim3A_183, %broadcast_in_dim3A_184 : vector<16xi1>, vector<16xf32>
      %swap3A_186 = arith.constant 0 : index
      %swap3A_187 = tpu.vector_load %arg21[%swap3A_186] {strides = array<i32>} : memref<16xf32, #tpu.memory_space<vmem>>, vector<16xf32>,
      tpu.vector_store %arg21[%swap3A_186], %select_n3A_185 {strides = array<i32>} : memref<16xf32, #tpu.memory_space<vmem>>, vector<16xf32>,
      %run_scoped3A = arith.constant 0 : i32
      "tpu.region"() ({
        %run_scoped3A_190 = tpu.sem_alloc : memref<!tpu.dma_semaphore, #tpu.memory_space<semaphore_mem>>
        %dma_start3A_191 = arith.constant 0 : i32
        %dma_start3A_192 = tpu.memref_slice %arg24[%run_scoped3A, %add3A, %dma_start3A_191] : memref<3x16x16xf32, #tpu.memory_space<hbm>> -> memref<1x1x16xf32, #tpu.memory_space<hbm>>
        %dma_start3A_193 = tpu.memref_squeeze %dma_start3A_192 : memref<1x1x16xf32, #tpu.memory_space<hbm>> -> memref<16xf32, #tpu.memory_space<hbm>>
        %dma_start3A_194 = arith.constant 0 : i32
        %dma_start3A_195 = tpu.memref_slice %arg24[%run_scoped3A, %add3A, %dma_start3A_194] : memref<3x16x16xf32, #tpu.memory_space<hbm>> -> memref<1x1x16xf32, #tpu.memory_space<hbm>>
        %dma_start3A_196 = tpu.memref_squeeze %dma_start3A_195 : memref<1x1x16xf32, #tpu.memory_space<hbm>> -> memref<16xf32, #tpu.memory_space<hbm>>
        tpu.enqueue_dma source(%arg19 : memref<16xf32, #tpu.memory_space<vmem>>) target(%dma_start3A_196 : memref<16xf32, #tpu.memory_space<hbm>>) target_semaphore(%run_scoped3A_190 : memref<!tpu.dma_semaphore, #tpu.memory_space<semaphore_mem>>)
        %dma_wait3A_197 = arith.constant 0 : i32
        %dma_wait3A_198 = tpu.memref_slice %arg24[%run_scoped3A, %add3A, %dma_wait3A_197] : memref<3x16x16xf32, #tpu.memory_space<hbm>> -> memref<1x1x16xf32, #tpu.memory_space<hbm>>
        %dma_wait3A_199 = tpu.memref_squeeze %dma_wait3A_198 : memref<1x1x16xf32, #tpu.memory_space<hbm>> -> memref<16xf32, #tpu.memory_space<hbm>>
        %dma_wait3A_200 = arith.constant 0 : i32
        %dma_wait3A_201 = tpu.memref_slice %arg24[%run_scoped3A, %add3A, %dma_wait3A_200] : memref<3x16x16xf32, #tpu.memory_space<hbm>> -> memref<1x1x16xf32, #tpu.memory_space<hbm>>
        %dma_wait3A_202 = tpu.memref_squeeze %dma_wait3A_201 : memref<1x1x16xf32, #tpu.memory_space<hbm>> -> memref<16xf32, #tpu.memory_space<hbm>>
        tpu.wait_dma2 semaphore(%run_scoped3A_190 : memref<!tpu.dma_semaphore, #tpu.memory_space<semaphore_mem>>) src(%arg19 : memref<16xf32, #tpu.memory_space<vmem>>) dst(%dma_wait3A_202 : memref<16xf32, #tpu.memory_space<hbm>>)
        tpu.yield
      }) : () -> ()
      %run_scoped3A_188 = arith.constant 1 : i32
      "tpu.region"() ({
        %run_scoped3A_190 = tpu.sem_alloc : memref<!tpu.dma_semaphore, #tpu.memory_space<semaphore_mem>>
        %dma_start3A_191 = arith.constant 0 : i32
        %dma_start3A_192 = tpu.memref_slice %arg24[%run_scoped3A_188, %add3A, %dma_start3A_191] : memref<3x16x16xf32, #tpu.memory_space<hbm>> -> memref<1x1x16xf32, #tpu.memory_space<hbm>>
        %dma_start3A_193 = tpu.memref_squeeze %dma_start3A_192 : memref<1x1x16xf32, #tpu.memory_space<hbm>> -> memref<16xf32, #tpu.memory_space<hbm>>
        %dma_start3A_194 = arith.constant 0 : i32
        %dma_start3A_195 = tpu.memref_slice %arg24[%run_scoped3A_188, %add3A, %dma_start3A_194] : memref<3x16x16xf32, #tpu.memory_space<hbm>> -> memref<1x1x16xf32, #tpu.memory_space<hbm>>
        %dma_start3A_196 = tpu.memref_squeeze %dma_start3A_195 : memref<1x1x16xf32, #tpu.memory_space<hbm>> -> memref<16xf32, #tpu.memory_space<hbm>>
        tpu.enqueue_dma source(%arg20 : memref<16xf32, #tpu.memory_space<vmem>>) target(%dma_start3A_196 : memref<16xf32, #tpu.memory_space<hbm>>) target_semaphore(%run_scoped3A_190 : memref<!tpu.dma_semaphore, #tpu.memory_space<semaphore_mem>>)
        %dma_wait3A_197 = arith.constant 0 : i32
        %dma_wait3A_198 = tpu.memref_slice %arg24[%run_scoped3A_188, %add3A, %dma_wait3A_197] : memref<3x16x16xf32, #tpu.memory_space<hbm>> -> memref<1x1x16xf32, #tpu.memory_space<hbm>>
        %dma_wait3A_199 = tpu.memref_squeeze %dma_wait3A_198 : memref<1x1x16xf32, #tpu.memory_space<hbm>> -> memref<16xf32, #tpu.memory_space<hbm>>
        %dma_wait3A_200 = arith.constant 0 : i32
        %dma_wait3A_201 = tpu.memref_slice %arg24[%run_scoped3A_188, %add3A, %dma_wait3A_200] : memref<3x16x16xf32, #tpu.memory_space<hbm>> -> memref<1x1x16xf32, #tpu.memory_space<hbm>>
        %dma_wait3A_202 = tpu.memref_squeeze %dma_wait3A_201 : memref<1x1x16xf32, #tpu.memory_space<hbm>> -> memref<16xf32, #tpu.memory_space<hbm>>
        tpu.wait_dma2 semaphore(%run_scoped3A_190 : memref<!tpu.dma_semaphore, #tpu.memory_space<semaphore_mem>>) src(%arg20 : memref<16xf32, #tpu.memory_space<vmem>>) dst(%dma_wait3A_202 : memref<16xf32, #tpu.memory_space<hbm>>)
        tpu.yield
      }) : () -> ()
      %run_scoped3A_189 = arith.constant 2 : i32
      "tpu.region"() ({
        %run_scoped3A_190 = tpu.sem_alloc : memref<!tpu.dma_semaphore, #tpu.memory_space<semaphore_mem>>
        %dma_start3A_191 = arith.constant 0 : i32
        %dma_start3A_192 = tpu.memref_slice %arg24[%run_scoped3A_189, %add3A, %dma_start3A_191] : memref<3x16x16xf32, #tpu.memory_space<hbm>> -> memref<1x1x16xf32, #tpu.memory_space<hbm>>
        %dma_start3A_193 = tpu.memref_squeeze %dma_start3A_192 : memref<1x1x16xf32, #tpu.memory_space<hbm>> -> memref<16xf32, #tpu.memory_space<hbm>>
        %dma_start3A_194 = arith.constant 0 : i32
        %dma_start3A_195 = tpu.memref_slice %arg24[%run_scoped3A_189, %add3A, %dma_start3A_194] : memref<3x16x16xf32, #tpu.memory_space<hbm>> -> memref<1x1x16xf32, #tpu.memory_space<hbm>>
        %dma_start3A_196 = tpu.memref_squeeze %dma_start3A_195 : memref<1x1x16xf32, #tpu.memory_space<hbm>> -> memref<16xf32, #tpu.memory_space<hbm>>
        tpu.enqueue_dma source(%arg21 : memref<16xf32, #tpu.memory_space<vmem>>) target(%dma_start3A_196 : memref<16xf32, #tpu.memory_space<hbm>>) target_semaphore(%run_scoped3A_190 : memref<!tpu.dma_semaphore, #tpu.memory_space<semaphore_mem>>)
        %dma_wait3A_197 = arith.constant 0 : i32
        %dma_wait3A_198 = tpu.memref_slice %arg24[%run_scoped3A_189, %add3A, %dma_wait3A_197] : memref<3x16x16xf32, #tpu.memory_space<hbm>> -> memref<1x1x16xf32, #tpu.memory_space<hbm>>
        %dma_wait3A_199 = tpu.memref_squeeze %dma_wait3A_198 : memref<1x1x16xf32, #tpu.memory_space<hbm>> -> memref<16xf32, #tpu.memory_space<hbm>>
        %dma_wait3A_200 = arith.constant 0 : i32
        %dma_wait3A_201 = tpu.memref_slice %arg24[%run_scoped3A_189, %add3A, %dma_wait3A_200] : memref<3x16x16xf32, #tpu.memory_space<hbm>> -> memref<1x1x16xf32, #tpu.memory_space<hbm>>
        %dma_wait3A_202 = tpu.memref_squeeze %dma_wait3A_201 : memref<1x1x16xf32, #tpu.memory_space<hbm>> -> memref<16xf32, #tpu.memory_space<hbm>>
        tpu.wait_dma2 semaphore(%run_scoped3A_190 : memref<!tpu.dma_semaphore, #tpu.memory_space<semaphore_mem>>) src(%arg21 : memref<16xf32, #tpu.memory_space<vmem>>) dst(%dma_wait3A_202 : memref<16xf32, #tpu.memory_space<hbm>>)
        tpu.yield
      }) : () -> ()
    } else {
    }
    %barrier3A = arith.constant 0 : index
    tpu.barrier barrier_id(%barrier3A)
    %eq3A = arith.constant 0 : i32
    %eq3A_3 = arith.cmpi eq, %arg1, %eq3A : i32
    %convert_element_type3A_4 = arith.extui %eq3A_3 : i1 to i32
    %cond3A_5 = arith.constant 0 : i32
    %cond3A_6 = arith.cmpi ne, %convert_element_type3A_4, %cond3A_5 : i32
    scf.if %cond3A_6 {
      %mul3A_7 = arith.constant 8 : i32
      %mul3A_8 = arith.muli %arg0, %mul3A_7 : i32
      %dma_start3A = arith.constant 0 : i32
      %dma_start3A_9 = arith.constant 0 : i32
      %dma_start3A_10 = arith.constant 0 : i32
      %dma_start3A_11 = arith.constant 0 : i32
      %dma_start3A_12 = tpu.memref_slice %arg22[%dma_start3A_9, %dma_start3A_10, %dma_start3A_11] : memref<3x8x16xf32, #tpu.memory_space<vmem>> -> memref<1x8x16xf32, #tpu.memory_space<vmem>>
      %dma_start3A_13 = tpu.memref_squeeze %dma_start3A_12 : memref<1x8x16xf32, #tpu.memory_space<vmem>> -> memref<8x16xf32, #tpu.memory_space<vmem>>
      %dma_start3A_14 = arith.constant 0 : i32
      %dma_start3A_15 = tpu.memref_slice %arg24[%dma_start3A, %mul3A_8, %dma_start3A_14] : memref<3x16x16xf32, #tpu.memory_space<hbm>> -> memref<1x8x16xf32, #tpu.memory_space<hbm>>
      %dma_start3A_16 = tpu.memref_squeeze %dma_start3A_15 : memref<1x8x16xf32, #tpu.memory_space<hbm>> -> memref<8x16xf32, #tpu.memory_space<hbm>>
      %dma_start3A_17 = arith.constant 0 : i32
      %dma_start3A_18 = arith.constant 0 : i32
      %dma_start3A_19 = tpu.memref_slice %arg22[%dma_start3A_9, %dma_start3A_17, %dma_start3A_18] : memref<3x8x16xf32, #tpu.memory_space<vmem>> -> memref<1x8x16xf32, #tpu.memory_space<vmem>>
      %dma_start3A_20 = tpu.memref_squeeze %dma_start3A_19 : memref<1x8x16xf32, #tpu.memory_space<vmem>> -> memref<8x16xf32, #tpu.memory_space<vmem>>
      %dma_start3A_21 = arith.constant 0 : i32
      %dma_start3A_22 = tpu.memref_slice %arg24[%dma_start3A, %mul3A_8, %dma_start3A_21] : memref<3x16x16xf32, #tpu.memory_space<hbm>> -> memref<1x8x16xf32, #tpu.memory_space<hbm>>
      %dma_start3A_23 = tpu.memref_squeeze %dma_start3A_22 : memref<1x8x16xf32, #tpu.memory_space<hbm>> -> memref<8x16xf32, #tpu.memory_space<hbm>>
      tpu.enqueue_dma source(%dma_start3A_23 : memref<8x16xf32, #tpu.memory_space<hbm>>) target(%dma_start3A_20 : memref<8x16xf32, #tpu.memory_space<vmem>>) target_semaphore(%arg25 : memref<!tpu.dma_semaphore, #tpu.memory_space<semaphore_mem>>)
      %dma_start3A_24 = arith.constant 1 : i32
      %dma_start3A_25 = arith.constant 1 : i32
      %dma_start3A_26 = arith.constant 0 : i32
      %dma_start3A_27 = arith.constant 0 : i32
      %dma_start3A_28 = tpu.memref_slice %arg22[%dma_start3A_25, %dma_start3A_26, %dma_start3A_27] : memref<3x8x16xf32, #tpu.memory_space<vmem>> -> memref<1x8x16xf32, #tpu.memory_space<vmem>>
      %dma_start3A_29 = tpu.memref_squeeze %dma_start3A_28 : memref<1x8x16xf32, #tpu.memory_space<vmem>> -> memref<8x16xf32, #tpu.memory_space<vmem>>
      %dma_start3A_30 = arith.constant 0 : i32
      %dma_start3A_31 = tpu.memref_slice %arg24[%dma_start3A_24, %mul3A_8, %dma_start3A_30] : memref<3x16x16xf32, #tpu.memory_space<hbm>> -> memref<1x8x16xf32, #tpu.memory_space<hbm>>
      %dma_start3A_32 = tpu.memref_squeeze %dma_start3A_31 : memref<1x8x16xf32, #tpu.memory_space<hbm>> -> memref<8x16xf32, #tpu.memory_space<hbm>>
      %dma_start3A_33 = arith.constant 0 : i32
      %dma_start3A_34 = arith.constant 0 : i32
      %dma_start3A_35 = tpu.memref_slice %arg22[%dma_start3A_25, %dma_start3A_33, %dma_start3A_34] : memref<3x8x16xf32, #tpu.memory_space<vmem>> -> memref<1x8x16xf32, #tpu.memory_space<vmem>>
      %dma_start3A_36 = tpu.memref_squeeze %dma_start3A_35 : memref<1x8x16xf32, #tpu.memory_space<vmem>> -> memref<8x16xf32, #tpu.memory_space<vmem>>
      %dma_start3A_37 = arith.constant 0 : i32
      %dma_start3A_38 = tpu.memref_slice %arg24[%dma_start3A_24, %mul3A_8, %dma_start3A_37] : memref<3x16x16xf32, #tpu.memory_space<hbm>> -> memref<1x8x16xf32, #tpu.memory_space<hbm>>
      %dma_start3A_39 = tpu.memref_squeeze %dma_start3A_38 : memref<1x8x16xf32, #tpu.memory_space<hbm>> -> memref<8x16xf32, #tpu.memory_space<hbm>>
      tpu.enqueue_dma source(%dma_start3A_39 : memref<8x16xf32, #tpu.memory_space<hbm>>) target(%dma_start3A_36 : memref<8x16xf32, #tpu.memory_space<vmem>>) target_semaphore(%arg25 : memref<!tpu.dma_semaphore, #tpu.memory_space<semaphore_mem>>)
      %dma_start3A_40 = arith.constant 2 : i32
      %dma_start3A_41 = arith.constant 2 : i32
      %dma_start3A_42 = arith.constant 0 : i32
      %dma_start3A_43 = arith.constant 0 : i32
      %dma_start3A_44 = tpu.memref_slice %arg22[%dma_start3A_41, %dma_start3A_42, %dma_start3A_43] : memref<3x8x16xf32, #tpu.memory_space<vmem>> -> memref<1x8x16xf32, #tpu.memory_space<vmem>>
      %dma_start3A_45 = tpu.memref_squeeze %dma_start3A_44 : memref<1x8x16xf32, #tpu.memory_space<vmem>> -> memref<8x16xf32, #tpu.memory_space<vmem>>
      %dma_start3A_46 = arith.constant 0 : i32
      %dma_start3A_47 = tpu.memref_slice %arg24[%dma_start3A_40, %mul3A_8, %dma_start3A_46] : memref<3x16x16xf32, #tpu.memory_space<hbm>> -> memref<1x8x16xf32, #tpu.memory_space<hbm>>
      %dma_start3A_48 = tpu.memref_squeeze %dma_start3A_47 : memref<1x8x16xf32, #tpu.memory_space<hbm>> -> memref<8x16xf32, #tpu.memory_space<hbm>>
      %dma_start3A_49 = arith.constant 0 : i32
      %dma_start3A_50 = arith.constant 0 : i32
      %dma_start3A_51 = tpu.memref_slice %arg22[%dma_start3A_41, %dma_start3A_49, %dma_start3A_50] : memref<3x8x16xf32, #tpu.memory_space<vmem>> -> memref<1x8x16xf32, #tpu.memory_space<vmem>>
      %dma_start3A_52 = tpu.memref_squeeze %dma_start3A_51 : memref<1x8x16xf32, #tpu.memory_space<vmem>> -> memref<8x16xf32, #tpu.memory_space<vmem>>
      %dma_start3A_53 = arith.constant 0 : i32
      %dma_start3A_54 = tpu.memref_slice %arg24[%dma_start3A_40, %mul3A_8, %dma_start3A_53] : memref<3x16x16xf32, #tpu.memory_space<hbm>> -> memref<1x8x16xf32, #tpu.memory_space<hbm>>
      %dma_start3A_55 = tpu.memref_squeeze %dma_start3A_54 : memref<1x8x16xf32, #tpu.memory_space<hbm>> -> memref<8x16xf32, #tpu.memory_space<hbm>>
      tpu.enqueue_dma source(%dma_start3A_55 : memref<8x16xf32, #tpu.memory_space<hbm>>) target(%dma_start3A_52 : memref<8x16xf32, #tpu.memory_space<vmem>>) target_semaphore(%arg25 : memref<!tpu.dma_semaphore, #tpu.memory_space<semaphore_mem>>)
      %dma_wait3A = arith.constant 0 : i32
      %dma_wait3A_56 = arith.constant 0 : i32
      %dma_wait3A_57 = arith.constant 0 : i32
      %dma_wait3A_58 = arith.constant 0 : i32
      %dma_wait3A_59 = tpu.memref_slice %arg22[%dma_wait3A_56, %dma_wait3A_57, %dma_wait3A_58] : memref<3x8x16xf32, #tpu.memory_space<vmem>> -> memref<1x8x16xf32, #tpu.memory_space<vmem>>
      %dma_wait3A_60 = tpu.memref_squeeze %dma_wait3A_59 : memref<1x8x16xf32, #tpu.memory_space<vmem>> -> memref<8x16xf32, #tpu.memory_space<vmem>>
      %dma_wait3A_61 = arith.constant 0 : i32
      %dma_wait3A_62 = tpu.memref_slice %arg24[%dma_wait3A, %mul3A_8, %dma_wait3A_61] : memref<3x16x16xf32, #tpu.memory_space<hbm>> -> memref<1x8x16xf32, #tpu.memory_space<hbm>>
      %dma_wait3A_63 = tpu.memref_squeeze %dma_wait3A_62 : memref<1x8x16xf32, #tpu.memory_space<hbm>> -> memref<8x16xf32, #tpu.memory_space<hbm>>
      %dma_wait3A_64 = arith.constant 0 : i32
      %dma_wait3A_65 = arith.constant 0 : i32
      %dma_wait3A_66 = tpu.memref_slice %arg22[%dma_wait3A_56, %dma_wait3A_64, %dma_wait3A_65] : memref<3x8x16xf32, #tpu.memory_space<vmem>> -> memref<1x8x16xf32, #tpu.memory_space<vmem>>
      %dma_wait3A_67 = tpu.memref_squeeze %dma_wait3A_66 : memref<1x8x16xf32, #tpu.memory_space<vmem>> -> memref<8x16xf32, #tpu.memory_space<vmem>>
      %dma_wait3A_68 = arith.constant 0 : i32
      %dma_wait3A_69 = tpu.memref_slice %arg24[%dma_wait3A, %mul3A_8, %dma_wait3A_68] : memref<3x16x16xf32, #tpu.memory_space<hbm>> -> memref<1x8x16xf32, #tpu.memory_space<hbm>>
      %dma_wait3A_70 = tpu.memref_squeeze %dma_wait3A_69 : memref<1x8x16xf32, #tpu.memory_space<hbm>> -> memref<8x16xf32, #tpu.memory_space<hbm>>
      tpu.wait_dma2 semaphore(%arg25 : memref<!tpu.dma_semaphore, #tpu.memory_space<semaphore_mem>>) src(%dma_wait3A_70 : memref<8x16xf32, #tpu.memory_space<hbm>>) dst(%dma_wait3A_67 : memref<8x16xf32, #tpu.memory_space<vmem>>)
      %dma_wait3A_71 = arith.constant 1 : i32
      %dma_wait3A_72 = arith.constant 1 : i32
      %dma_wait3A_73 = arith.constant 0 : i32
      %dma_wait3A_74 = arith.constant 0 : i32
      %dma_wait3A_75 = tpu.memref_slice %arg22[%dma_wait3A_72, %dma_wait3A_73, %dma_wait3A_74] : memref<3x8x16xf32, #tpu.memory_space<vmem>> -> memref<1x8x16xf32, #tpu.memory_space<vmem>>
      %dma_wait3A_76 = tpu.memref_squeeze %dma_wait3A_75 : memref<1x8x16xf32, #tpu.memory_space<vmem>> -> memref<8x16xf32, #tpu.memory_space<vmem>>
      %dma_wait3A_77 = arith.constant 0 : i32
      %dma_wait3A_78 = tpu.memref_slice %arg24[%dma_wait3A_71, %mul3A_8, %dma_wait3A_77] : memref<3x16x16xf32, #tpu.memory_space<hbm>> -> memref<1x8x16xf32, #tpu.memory_space<hbm>>
      %dma_wait3A_79 = tpu.memref_squeeze %dma_wait3A_78 : memref<1x8x16xf32, #tpu.memory_space<hbm>> -> memref<8x16xf32, #tpu.memory_space<hbm>>
      %dma_wait3A_80 = arith.constant 0 : i32
      %dma_wait3A_81 = arith.constant 0 : i32
      %dma_wait3A_82 = tpu.memref_slice %arg22[%dma_wait3A_72, %dma_wait3A_80, %dma_wait3A_81] : memref<3x8x16xf32, #tpu.memory_space<vmem>> -> memref<1x8x16xf32, #tpu.memory_space<vmem>>
      %dma_wait3A_83 = tpu.memref_squeeze %dma_wait3A_82 : memref<1x8x16xf32, #tpu.memory_space<vmem>> -> memref<8x16xf32, #tpu.memory_space<vmem>>
      %dma_wait3A_84 = arith.constant 0 : i32
      %dma_wait3A_85 = tpu.memref_slice %arg24[%dma_wait3A_71, %mul3A_8, %dma_wait3A_84] : memref<3x16x16xf32, #tpu.memory_space<hbm>> -> memref<1x8x16xf32, #tpu.memory_space<hbm>>
      %dma_wait3A_86 = tpu.memref_squeeze %dma_wait3A_85 : memref<1x8x16xf32, #tpu.memory_space<hbm>> -> memref<8x16xf32, #tpu.memory_space<hbm>>
      tpu.wait_dma2 semaphore(%arg25 : memref<!tpu.dma_semaphore, #tpu.memory_space<semaphore_mem>>) src(%dma_wait3A_86 : memref<8x16xf32, #tpu.memory_space<hbm>>) dst(%dma_wait3A_83 : memref<8x16xf32, #tpu.memory_space<vmem>>)
      %dma_wait3A_87 = arith.constant 2 : i32
      %dma_wait3A_88 = arith.constant 2 : i32
      %dma_wait3A_89 = arith.constant 0 : i32
      %dma_wait3A_90 = arith.constant 0 : i32
      %dma_wait3A_91 = tpu.memref_slice %arg22[%dma_wait3A_88, %dma_wait3A_89, %dma_wait3A_90] : memref<3x8x16xf32, #tpu.memory_space<vmem>> -> memref<1x8x16xf32, #tpu.memory_space<vmem>>
      %dma_wait3A_92 = tpu.memref_squeeze %dma_wait3A_91 : memref<1x8x16xf32, #tpu.memory_space<vmem>> -> memref<8x16xf32, #tpu.memory_space<vmem>>
      %dma_wait3A_93 = arith.constant 0 : i32
      %dma_wait3A_94 = tpu.memref_slice %arg24[%dma_wait3A_87, %mul3A_8, %dma_wait3A_93] : memref<3x16x16xf32, #tpu.memory_space<hbm>> -> memref<1x8x16xf32, #tpu.memory_space<hbm>>
      %dma_wait3A_95 = tpu.memref_squeeze %dma_wait3A_94 : memref<1x8x16xf32, #tpu.memory_space<hbm>> -> memref<8x16xf32, #tpu.memory_space<hbm>>
      %dma_wait3A_96 = arith.constant 0 : i32
      %dma_wait3A_97 = arith.constant 0 : i32
      %dma_wait3A_98 = tpu.memref_slice %arg22[%dma_wait3A_88, %dma_wait3A_96, %dma_wait3A_97] : memref<3x8x16xf32, #tpu.memory_space<vmem>> -> memref<1x8x16xf32, #tpu.memory_space<vmem>>
      %dma_wait3A_99 = tpu.memref_squeeze %dma_wait3A_98 : memref<1x8x16xf32, #tpu.memory_space<vmem>> -> memref<8x16xf32, #tpu.memory_space<vmem>>
      %dma_wait3A_100 = arith.constant 0 : i32
      %dma_wait3A_101 = tpu.memref_slice %arg24[%dma_wait3A_87, %mul3A_8, %dma_wait3A_100] : memref<3x16x16xf32, #tpu.memory_space<hbm>> -> memref<1x8x16xf32, #tpu.memory_space<hbm>>
      %dma_wait3A_102 = tpu.memref_squeeze %dma_wait3A_101 : memref<1x8x16xf32, #tpu.memory_space<hbm>> -> memref<8x16xf32, #tpu.memory_space<hbm>>
      tpu.wait_dma2 semaphore(%arg25 : memref<!tpu.dma_semaphore, #tpu.memory_space<semaphore_mem>>) src(%dma_wait3A_102 : memref<8x16xf32, #tpu.memory_space<hbm>>) dst(%dma_wait3A_99 : memref<8x16xf32, #tpu.memory_space<vmem>>)
      %broadcast_in_dim3A = arith.constant 0.000000e+00 : f32
      %broadcast_in_dim3A_103 = vector.broadcast %broadcast_in_dim3A : f32 to vector<16xf32>
      %get3A = arith.constant 0 : i32
      %get3A_104 = arith.constant 0 : i32
      %get3A_105 = arith.index_cast %get3A : i32 to index
      %get3A_106 = arith.index_cast %get3A_104 : i32 to index
      %get3A_107 = arith.constant 0 : index
      %get3A_108 = tpu.vector_load %arg22[%get3A_105, %get3A_106, %get3A_107] {strides = array<i32>} : memref<3x8x16xf32, #tpu.memory_space<vmem>>, vector<16xf32>,
      %add3A_109 = arith.addf %broadcast_in_dim3A_103, %get3A_108 : vector<16xf32>
      %get3A_110 = arith.constant 0 : i32
      %get3A_111 = arith.constant 1 : i32
      %get3A_112 = arith.index_cast %get3A_110 : i32 to index
      %get3A_113 = arith.index_cast %get3A_111 : i32 to index
      %get3A_114 = arith.constant 0 : index
      %get3A_115 = tpu.vector_load %arg22[%get3A_112, %get3A_113, %get3A_114] {strides = array<i32>} : memref<3x8x16xf32, #tpu.memory_space<vmem>>, vector<16xf32>,
      %add3A_116 = arith.addf %add3A_109, %get3A_115 : vector<16xf32>
      %get3A_117 = arith.constant 0 : i32
      %get3A_118 = arith.constant 2 : i32
      %get3A_119 = arith.index_cast %get3A_117 : i32 to index
      %get3A_120 = arith.index_cast %get3A_118 : i32 to index
      %get3A_121 = arith.constant 0 : index
      %get3A_122 = tpu.vector_load %arg22[%get3A_119, %get3A_120, %get3A_121] {strides = array<i32>} : memref<3x8x16xf32, #tpu.memory_space<vmem>>, vector<16xf32>,
      %add3A_123 = arith.addf %add3A_116, %get3A_122 : vector<16xf32>
      %get3A_124 = arith.constant 0 : i32
      %get3A_125 = arith.constant 3 : i32
      %get3A_126 = arith.index_cast %get3A_124 : i32 to index
      %get3A_127 = arith.index_cast %get3A_125 : i32 to index
      %get3A_128 = arith.constant 0 : index
      %get3A_129 = tpu.vector_load %arg22[%get3A_126, %get3A_127, %get3A_128] {strides = array<i32>} : memref<3x8x16xf32, #tpu.memory_space<vmem>>, vector<16xf32>,
      %add3A_130 = arith.addf %add3A_123, %get3A_129 : vector<16xf32>
      %get3A_131 = arith.constant 0 : i32
      %get3A_132 = arith.constant 4 : i32
      %get3A_133 = arith.index_cast %get3A_131 : i32 to index
      %get3A_134 = arith.index_cast %get3A_132 : i32 to index
      %get3A_135 = arith.constant 0 : index
      %get3A_136 = tpu.vector_load %arg22[%get3A_133, %get3A_134, %get3A_135] {strides = array<i32>} : memref<3x8x16xf32, #tpu.memory_space<vmem>>, vector<16xf32>,
      %add3A_137 = arith.addf %add3A_130, %get3A_136 : vector<16xf32>
      %get3A_138 = arith.constant 0 : i32
      %get3A_139 = arith.constant 5 : i32
      %get3A_140 = arith.index_cast %get3A_138 : i32 to index
      %get3A_141 = arith.index_cast %get3A_139 : i32 to index
      %get3A_142 = arith.constant 0 : index
      %get3A_143 = tpu.vector_load %arg22[%get3A_140, %get3A_141, %get3A_142] {strides = array<i32>} : memref<3x8x16xf32, #tpu.memory_space<vmem>>, vector<16xf32>,
      %add3A_144 = arith.addf %add3A_137, %get3A_143 : vector<16xf32>
      %get3A_145 = arith.constant 0 : i32
      %get3A_146 = arith.constant 6 : i32
      %get3A_147 = arith.index_cast %get3A_145 : i32 to index
      %get3A_148 = arith.index_cast %get3A_146 : i32 to index
      %get3A_149 = arith.constant 0 : index
      %get3A_150 = tpu.vector_load %arg22[%get3A_147, %get3A_148, %get3A_149] {strides = array<i32>} : memref<3x8x16xf32, #tpu.memory_space<vmem>>, vector<16xf32>,
      %add3A_151 = arith.addf %add3A_144, %get3A_150 : vector<16xf32>
      %get3A_152 = arith.constant 0 : i32
      %get3A_153 = arith.constant 7 : i32
      %get3A_154 = arith.index_cast %get3A_152 : i32 to index
      %get3A_155 = arith.index_cast %get3A_153 : i32 to index
      %get3A_156 = arith.constant 0 : index
      %get3A_157 = tpu.vector_load %arg22[%get3A_154, %get3A_155, %get3A_156] {strides = array<i32>} : memref<3x8x16xf32, #tpu.memory_space<vmem>>, vector<16xf32>,
      %add3A_158 = arith.addf %add3A_151, %get3A_157 : vector<16xf32>
      %swap3A = arith.constant 0 : index
      %swap3A_159 = tpu.vector_load %arg23[%swap3A] {strides = array<i32>} : memref<16xf32, #tpu.memory_space<vmem>>, vector<16xf32>,
      tpu.vector_store %arg23[%swap3A], %add3A_158 {strides = array<i32>} : memref<16xf32, #tpu.memory_space<vmem>>, vector<16xf32>,
      "tpu.region"() ({
        %run_scoped3A = tpu.sem_alloc : memref<!tpu.dma_semaphore, #tpu.memory_space<semaphore_mem>>
        %dma_start3A_280 = tpu.memref_slice %arg23[%mul3A_8] : memref<16xf32, #tpu.memory_space<vmem>> -> memref<8xf32, #tpu.memory_space<vmem>>
        %dma_start3A_281 = tpu.memref_slice %arg7[%mul3A_8] : memref<16xf32, #tpu.memory_space<hbm>> -> memref<8xf32, #tpu.memory_space<hbm>>
        %dma_start3A_282 = tpu.memref_slice %arg7[%mul3A_8] : memref<16xf32, #tpu.memory_space<hbm>> -> memref<8xf32, #tpu.memory_space<hbm>>
        %dma_start3A_283 = tpu.memref_slice %arg23[%mul3A_8] : memref<16xf32, #tpu.memory_space<vmem>> -> memref<8xf32, #tpu.memory_space<vmem>>
        tpu.enqueue_dma source(%dma_start3A_283 : memref<8xf32, #tpu.memory_space<vmem>>) target(%dma_start3A_282 : memref<8xf32, #tpu.memory_space<hbm>>) target_semaphore(%run_scoped3A : memref<!tpu.dma_semaphore, #tpu.memory_space<semaphore_mem>>)
        %dma_wait3A_284 = tpu.memref_slice %arg23[%mul3A_8] : memref<16xf32, #tpu.memory_space<vmem>> -> memref<8xf32, #tpu.memory_space<vmem>>
        %dma_wait3A_285 = tpu.memref_slice %arg7[%mul3A_8] : memref<16xf32, #tpu.memory_space<hbm>> -> memref<8xf32, #tpu.memory_space<hbm>>
        %dma_wait3A_286 = tpu.memref_slice %arg7[%mul3A_8] : memref<16xf32, #tpu.memory_space<hbm>> -> memref<8xf32, #tpu.memory_space<hbm>>
        %dma_wait3A_287 = tpu.memref_slice %arg23[%mul3A_8] : memref<16xf32, #tpu.memory_space<vmem>> -> memref<8xf32, #tpu.memory_space<vmem>>
        tpu.wait_dma2 semaphore(%run_scoped3A : memref<!tpu.dma_semaphore, #tpu.memory_space<semaphore_mem>>) src(%dma_wait3A_287 : memref<8xf32, #tpu.memory_space<vmem>>) dst(%dma_wait3A_286 : memref<8xf32, #tpu.memory_space<hbm>>)
        tpu.yield
      }) : () -> ()
      %broadcast_in_dim3A_160 = arith.constant 0.000000e+00 : f32
      %broadcast_in_dim3A_161 = vector.broadcast %broadcast_in_dim3A_160 : f32 to vector<16xf32>
      %get3A_162 = arith.constant 1 : i32
      %get3A_163 = arith.constant 0 : i32
      %get3A_164 = arith.index_cast %get3A_162 : i32 to index
      %get3A_165 = arith.index_cast %get3A_163 : i32 to index
      %get3A_166 = arith.constant 0 : index
      %get3A_167 = tpu.vector_load %arg22[%get3A_164, %get3A_165, %get3A_166] {strides = array<i32>} : memref<3x8x16xf32, #tpu.memory_space<vmem>>, vector<16xf32>,
      %add3A_168 = arith.addf %broadcast_in_dim3A_161, %get3A_167 : vector<16xf32>
      %get3A_169 = arith.constant 1 : i32
      %get3A_170 = arith.constant 1 : i32
      %get3A_171 = arith.index_cast %get3A_169 : i32 to index
      %get3A_172 = arith.index_cast %get3A_170 : i32 to index
      %get3A_173 = arith.constant 0 : index
      %get3A_174 = tpu.vector_load %arg22[%get3A_171, %get3A_172, %get3A_173] {strides = array<i32>} : memref<3x8x16xf32, #tpu.memory_space<vmem>>, vector<16xf32>,
      %add3A_175 = arith.addf %add3A_168, %get3A_174 : vector<16xf32>
      %get3A_176 = arith.constant 1 : i32
      %get3A_177 = arith.constant 2 : i32
      %get3A_178 = arith.index_cast %get3A_176 : i32 to index
      %get3A_179 = arith.index_cast %get3A_177 : i32 to index
      %get3A_180 = arith.constant 0 : index
      %get3A_181 = tpu.vector_load %arg22[%get3A_178, %get3A_179, %get3A_180] {strides = array<i32>} : memref<3x8x16xf32, #tpu.memory_space<vmem>>, vector<16xf32>,
      %add3A_182 = arith.addf %add3A_175, %get3A_181 : vector<16xf32>
      %get3A_183 = arith.constant 1 : i32
      %get3A_184 = arith.constant 3 : i32
      %get3A_185 = arith.index_cast %get3A_183 : i32 to index
      %get3A_186 = arith.index_cast %get3A_184 : i32 to index
      %get3A_187 = arith.constant 0 : index
      %get3A_188 = tpu.vector_load %arg22[%get3A_185, %get3A_186, %get3A_187] {strides = array<i32>} : memref<3x8x16xf32, #tpu.memory_space<vmem>>, vector<16xf32>,
      %add3A_189 = arith.addf %add3A_182, %get3A_188 : vector<16xf32>
      %get3A_190 = arith.constant 1 : i32
      %get3A_191 = arith.constant 4 : i32
      %get3A_192 = arith.index_cast %get3A_190 : i32 to index
      %get3A_193 = arith.index_cast %get3A_191 : i32 to index
      %get3A_194 = arith.constant 0 : index
      %get3A_195 = tpu.vector_load %arg22[%get3A_192, %get3A_193, %get3A_194] {strides = array<i32>} : memref<3x8x16xf32, #tpu.memory_space<vmem>>, vector<16xf32>,
      %add3A_196 = arith.addf %add3A_189, %get3A_195 : vector<16xf32>
      %get3A_197 = arith.constant 1 : i32
      %get3A_198 = arith.constant 5 : i32
      %get3A_199 = arith.index_cast %get3A_197 : i32 to index
      %get3A_200 = arith.index_cast %get3A_198 : i32 to index
      %get3A_201 = arith.constant 0 : index
      %get3A_202 = tpu.vector_load %arg22[%get3A_199, %get3A_200, %get3A_201] {strides = array<i32>} : memref<3x8x16xf32, #tpu.memory_space<vmem>>, vector<16xf32>,
      %add3A_203 = arith.addf %add3A_196, %get3A_202 : vector<16xf32>
      %get3A_204 = arith.constant 1 : i32
      %get3A_205 = arith.constant 6 : i32
      %get3A_206 = arith.index_cast %get3A_204 : i32 to index
      %get3A_207 = arith.index_cast %get3A_205 : i32 to index
      %get3A_208 = arith.constant 0 : index
      %get3A_209 = tpu.vector_load %arg22[%get3A_206, %get3A_207, %get3A_208] {strides = array<i32>} : memref<3x8x16xf32, #tpu.memory_space<vmem>>, vector<16xf32>,
      %add3A_210 = arith.addf %add3A_203, %get3A_209 : vector<16xf32>
      %get3A_211 = arith.constant 1 : i32
      %get3A_212 = arith.constant 7 : i32
      %get3A_213 = arith.index_cast %get3A_211 : i32 to index
      %get3A_214 = arith.index_cast %get3A_212 : i32 to index
      %get3A_215 = arith.constant 0 : index
      %get3A_216 = tpu.vector_load %arg22[%get3A_213, %get3A_214, %get3A_215] {strides = array<i32>} : memref<3x8x16xf32, #tpu.memory_space<vmem>>, vector<16xf32>,
      %add3A_217 = arith.addf %add3A_210, %get3A_216 : vector<16xf32>
      %swap3A_218 = arith.constant 0 : index
      %swap3A_219 = tpu.vector_load %arg23[%swap3A_218] {strides = array<i32>} : memref<16xf32, #tpu.memory_space<vmem>>, vector<16xf32>,
      tpu.vector_store %arg23[%swap3A_218], %add3A_217 {strides = array<i32>} : memref<16xf32, #tpu.memory_space<vmem>>, vector<16xf32>,
      "tpu.region"() ({
        %run_scoped3A = tpu.sem_alloc : memref<!tpu.dma_semaphore, #tpu.memory_space<semaphore_mem>>
        %dma_start3A_280 = tpu.memref_slice %arg23[%mul3A_8] : memref<16xf32, #tpu.memory_space<vmem>> -> memref<8xf32, #tpu.memory_space<vmem>>
        %dma_start3A_281 = tpu.memref_slice %arg8[%mul3A_8] : memref<16xf32, #tpu.memory_space<hbm>> -> memref<8xf32, #tpu.memory_space<hbm>>
        %dma_start3A_282 = tpu.memref_slice %arg8[%mul3A_8] : memref<16xf32, #tpu.memory_space<hbm>> -> memref<8xf32, #tpu.memory_space<hbm>>
        %dma_start3A_283 = tpu.memref_slice %arg23[%mul3A_8] : memref<16xf32, #tpu.memory_space<vmem>> -> memref<8xf32, #tpu.memory_space<vmem>>
        tpu.enqueue_dma source(%dma_start3A_283 : memref<8xf32, #tpu.memory_space<vmem>>) target(%dma_start3A_282 : memref<8xf32, #tpu.memory_space<hbm>>) target_semaphore(%run_scoped3A : memref<!tpu.dma_semaphore, #tpu.memory_space<semaphore_mem>>)
        %dma_wait3A_284 = tpu.memref_slice %arg23[%mul3A_8] : memref<16xf32, #tpu.memory_space<vmem>> -> memref<8xf32, #tpu.memory_space<vmem>>
        %dma_wait3A_285 = tpu.memref_slice %arg8[%mul3A_8] : memref<16xf32, #tpu.memory_space<hbm>> -> memref<8xf32, #tpu.memory_space<hbm>>
        %dma_wait3A_286 = tpu.memref_slice %arg8[%mul3A_8] : memref<16xf32, #tpu.memory_space<hbm>> -> memref<8xf32, #tpu.memory_space<hbm>>
        %dma_wait3A_287 = tpu.memref_slice %arg23[%mul3A_8] : memref<16xf32, #tpu.memory_space<vmem>> -> memref<8xf32, #tpu.memory_space<vmem>>
        tpu.wait_dma2 semaphore(%run_scoped3A : memref<!tpu.dma_semaphore, #tpu.memory_space<semaphore_mem>>) src(%dma_wait3A_287 : memref<8xf32, #tpu.memory_space<vmem>>) dst(%dma_wait3A_286 : memref<8xf32, #tpu.memory_space<hbm>>)
        tpu.yield
      }) : () -> ()
      %broadcast_in_dim3A_220 = arith.constant 0.000000e+00 : f32
      %broadcast_in_dim3A_221 = vector.broadcast %broadcast_in_dim3A_220 : f32 to vector<16xf32>
      %get3A_222 = arith.constant 2 : i32
      %get3A_223 = arith.constant 0 : i32
      %get3A_224 = arith.index_cast %get3A_222 : i32 to index
      %get3A_225 = arith.index_cast %get3A_223 : i32 to index
      %get3A_226 = arith.constant 0 : index
      %get3A_227 = tpu.vector_load %arg22[%get3A_224, %get3A_225, %get3A_226] {strides = array<i32>} : memref<3x8x16xf32, #tpu.memory_space<vmem>>, vector<16xf32>,
      %add3A_228 = arith.addf %broadcast_in_dim3A_221, %get3A_227 : vector<16xf32>
      %get3A_229 = arith.constant 2 : i32
      %get3A_230 = arith.constant 1 : i32
      %get3A_231 = arith.index_cast %get3A_229 : i32 to index
      %get3A_232 = arith.index_cast %get3A_230 : i32 to index
      %get3A_233 = arith.constant 0 : index
      %get3A_234 = tpu.vector_load %arg22[%get3A_231, %get3A_232, %get3A_233] {strides = array<i32>} : memref<3x8x16xf32, #tpu.memory_space<vmem>>, vector<16xf32>,
      %add3A_235 = arith.addf %add3A_228, %get3A_234 : vector<16xf32>
      %get3A_236 = arith.constant 2 : i32
      %get3A_237 = arith.constant 2 : i32
      %get3A_238 = arith.index_cast %get3A_236 : i32 to index
      %get3A_239 = arith.index_cast %get3A_237 : i32 to index
      %get3A_240 = arith.constant 0 : index
      %get3A_241 = tpu.vector_load %arg22[%get3A_238, %get3A_239, %get3A_240] {strides = array<i32>} : memref<3x8x16xf32, #tpu.memory_space<vmem>>, vector<16xf32>,
      %add3A_242 = arith.addf %add3A_235, %get3A_241 : vector<16xf32>
      %get3A_243 = arith.constant 2 : i32
      %get3A_244 = arith.constant 3 : i32
      %get3A_245 = arith.index_cast %get3A_243 : i32 to index
      %get3A_246 = arith.index_cast %get3A_244 : i32 to index
      %get3A_247 = arith.constant 0 : index
      %get3A_248 = tpu.vector_load %arg22[%get3A_245, %get3A_246, %get3A_247] {strides = array<i32>} : memref<3x8x16xf32, #tpu.memory_space<vmem>>, vector<16xf32>,
      %add3A_249 = arith.addf %add3A_242, %get3A_248 : vector<16xf32>
      %get3A_250 = arith.constant 2 : i32
      %get3A_251 = arith.constant 4 : i32
      %get3A_252 = arith.index_cast %get3A_250 : i32 to index
      %get3A_253 = arith.index_cast %get3A_251 : i32 to index
      %get3A_254 = arith.constant 0 : index
      %get3A_255 = tpu.vector_load %arg22[%get3A_252, %get3A_253, %get3A_254] {strides = array<i32>} : memref<3x8x16xf32, #tpu.memory_space<vmem>>, vector<16xf32>,
      %add3A_256 = arith.addf %add3A_249, %get3A_255 : vector<16xf32>
      %get3A_257 = arith.constant 2 : i32
      %get3A_258 = arith.constant 5 : i32
      %get3A_259 = arith.index_cast %get3A_257 : i32 to index
      %get3A_260 = arith.index_cast %get3A_258 : i32 to index
      %get3A_261 = arith.constant 0 : index
      %get3A_262 = tpu.vector_load %arg22[%get3A_259, %get3A_260, %get3A_261] {strides = array<i32>} : memref<3x8x16xf32, #tpu.memory_space<vmem>>, vector<16xf32>,
      %add3A_263 = arith.addf %add3A_256, %get3A_262 : vector<16xf32>
      %get3A_264 = arith.constant 2 : i32
      %get3A_265 = arith.constant 6 : i32
      %get3A_266 = arith.index_cast %get3A_264 : i32 to index
      %get3A_267 = arith.index_cast %get3A_265 : i32 to index
      %get3A_268 = arith.constant 0 : index
      %get3A_269 = tpu.vector_load %arg22[%get3A_266, %get3A_267, %get3A_268] {strides = array<i32>} : memref<3x8x16xf32, #tpu.memory_space<vmem>>, vector<16xf32>,
      %add3A_270 = arith.addf %add3A_263, %get3A_269 : vector<16xf32>
      %get3A_271 = arith.constant 2 : i32
      %get3A_272 = arith.constant 7 : i32
      %get3A_273 = arith.index_cast %get3A_271 : i32 to index
      %get3A_274 = arith.index_cast %get3A_272 : i32 to index
      %get3A_275 = arith.constant 0 : index
      %get3A_276 = tpu.vector_load %arg22[%get3A_273, %get3A_274, %get3A_275] {strides = array<i32>} : memref<3x8x16xf32, #tpu.memory_space<vmem>>, vector<16xf32>,
      %add3A_277 = arith.addf %add3A_270, %get3A_276 : vector<16xf32>
      %swap3A_278 = arith.constant 0 : index
      %swap3A_279 = tpu.vector_load %arg23[%swap3A_278] {strides = array<i32>} : memref<16xf32, #tpu.memory_space<vmem>>, vector<16xf32>,
      tpu.vector_store %arg23[%swap3A_278], %add3A_277 {strides = array<i32>} : memref<16xf32, #tpu.memory_space<vmem>>, vector<16xf32>,
      "tpu.region"() ({
        %run_scoped3A = tpu.sem_alloc : memref<!tpu.dma_semaphore, #tpu.memory_space<semaphore_mem>>
        %dma_start3A_280 = tpu.memref_slice %arg23[%mul3A_8] : memref<16xf32, #tpu.memory_space<vmem>> -> memref<8xf32, #tpu.memory_space<vmem>>
        %dma_start3A_281 = tpu.memref_slice %arg9[%mul3A_8] : memref<16xf32, #tpu.memory_space<hbm>> -> memref<8xf32, #tpu.memory_space<hbm>>
        %dma_start3A_282 = tpu.memref_slice %arg9[%mul3A_8] : memref<16xf32, #tpu.memory_space<hbm>> -> memref<8xf32, #tpu.memory_space<hbm>>
        %dma_start3A_283 = tpu.memref_slice %arg23[%mul3A_8] : memref<16xf32, #tpu.memory_space<vmem>> -> memref<8xf32, #tpu.memory_space<vmem>>
        tpu.enqueue_dma source(%dma_start3A_283 : memref<8xf32, #tpu.memory_space<vmem>>) target(%dma_start3A_282 : memref<8xf32, #tpu.memory_space<hbm>>) target_semaphore(%run_scoped3A : memref<!tpu.dma_semaphore, #tpu.memory_space<semaphore_mem>>)
        %dma_wait3A_284 = tpu.memref_slice %arg23[%mul3A_8] : memref<16xf32, #tpu.memory_space<vmem>> -> memref<8xf32, #tpu.memory_space<vmem>>
        %dma_wait3A_285 = tpu.memref_slice %arg9[%mul3A_8] : memref<16xf32, #tpu.memory_space<hbm>> -> memref<8xf32, #tpu.memory_space<hbm>>
        %dma_wait3A_286 = tpu.memref_slice %arg9[%mul3A_8] : memref<16xf32, #tpu.memory_space<hbm>> -> memref<8xf32, #tpu.memory_space<hbm>>
        %dma_wait3A_287 = tpu.memref_slice %arg23[%mul3A_8] : memref<16xf32, #tpu.memory_space<vmem>> -> memref<8xf32, #tpu.memory_space<vmem>>
        tpu.wait_dma2 semaphore(%run_scoped3A : memref<!tpu.dma_semaphore, #tpu.memory_space<semaphore_mem>>) src(%dma_wait3A_287 : memref<8xf32, #tpu.memory_space<vmem>>) dst(%dma_wait3A_286 : memref<8xf32, #tpu.memory_space<hbm>>)
        tpu.yield
      }) : () -> ()
    } else {
    }
    return
  }
}

</mosaic_0001>

<sc_bundles>
// kernel: kernel.3.cloned.1.call-start
scs
__scs_entry_jumppad:
0x0: {  	(pc) =	sbr.rel $0x88, $3  }
0x1: {  	(tag) =	ssettag $0x0;
	lr =	simm.s32 $0x1  }
0x2: {  	[smem:$0x3F9C] =	sst lr;
	_ =	strace $0xD0000000  }
0x3: {  	_ = 	snop  }
0x4: {  	_ = 	snop  }
0x5: {  	_ = 	snop  }
0x6: {  	_ = 	snop  }
0x7: {  	_ = 	snop  }
__scs_overlays_trampoline_lowered:
0x8: {  	[smem:$0x3FAB] =	sst s0  }
0x9: {  	[smem:$0x3FAC] =	sst s1  }
0xa: {  	[smem:$0x3FAD] =	sst s2  }
0xb: {  	[smem:$0x3FAE] =	sst s3  }
0xc: {  	[smem:$0x3FAF] =	sst s4  }
0xd: {  	[smem:$0x3FB0] =	sst s5  }
0xe: {  	[smem:$0x3FB1] =	sst s6  }
0xf: {  	[smem:$0x3FB2] =	sst s7  }
0x10: {  	[smem:$0x3FB3] =	sst s8  }
0x11: {  	[smem:$0x3FB4] =	sst s9;
	s0 =	simm.s32 @!p0 $0x0  }
0x12: {  	s1 =	sld [smem:$0x3F9A];
	s0 =	simm.s32 @p0 $0x1  }
0x13: {  	[smem:$0x3FB5] =	sst s0;
	s0 =	simm.s32 @!p1 $0x0  }
0x14: {  	s2 =	sld [smem:$0x3F99];
	s0 =	simm.s32 @p1 $0x1  }
0x15: {  	[smem:$0x3FB6] =	sst s0;
	s0 =	simm.s32 @!p2 $0x0  }
0x16: {  	s3 =	sld [smem:$0x3FDB];
	s0 =	simm.s32 @p2 $0x1  }
0x17: {  	s4 =	simm.s32 $0x1BF5;
	[smem:$0x3FB8] =	sst s0  }
0x18: {  	s0 =	sld [smem:$0x3F9B];
	_ =	swait.ge [sflag:s4], $0x0  }
0x19: {  	s7 =	sld [smem:$0x3F9C]  }
0x1a: {  	s8 =	sadd.s32 $0xFFFFE003, lr  }
0x1b: {  	s9 =	sadd.s32 $0xFFFFFEF7, lr;
	s5 =	simm.s32 $0xFFFFFFFF;
	p2 =	slt.u32 s8, $0xFFFFF086  }
0x1c: {  	p1 =	slt.u32 s9, $0xF7A;
	s5 =	simm.s32 @!p2 $0x0  }
0x1d: {  	s5 =	simm.s32 @p1 $0x1;
	p0 =	seq.s32 s7, s2  }
0x1e: {  	s7 =	smul.u32 @!p0 $0xF7A, s2;
	p2 =	seq.s32 @!p0 s5, $0x0  }
0x1f: {  	s9 =	smul.u32 $0xF7A, s1;
	s8 =	simm.s32 @!p0 $0x1BF5;
	p2 =	por !p2, p0  }
0x20: {  	[sflag:s8] =	ssyncset.s32 @!p0 $0xFFFFF086;
	s6 =	sadd.s32 @!p0 s3, s7;
	s7 =	simm.s32 @!p0 $0x108  }
0x21: {  	s3 =	sadd.s32 s3, s9;
	s6 =	sadd.s32 @!p0 $0x88, s6;
	s7 =	simm.s32 @p2 $0x1082  }
0x22: {  	[simem:s7], [sflag:s8] =	dma.local @!p0 [hbm:s6], $0xF7A  }
0x23: {  	s9 =	sor.u32 $0xD0000000, s2;
	s6 =	simm.s32 $0x108;
	_ =	swait.ge @!p0 [sflag:s8], $0x0  }
0x24: {  	s3 =	sadd.s32 $0x88, s3;
	s6 =	simm.s32 @!p1 $0x1082;
	[sflag:s4] =	ssyncset.s32 $0xFFFFF086  }
0x25: {  	[simem:s6], [sflag:s4] =	dma.local [hbm:s3], $0xF7A  }
0x26: {  	[smem:$0x3F9C] =	sst s1;
	(tag) =	ssettag s2;
	_ =	strace s9  }
0x27: {  	s1 =	sld [smem:$0x3FAC]  }
0x28: {  	s2 =	sld [smem:$0x3FAD]  }
0x29: {  	s4 =	sld [smem:$0x3FAF]  }
0x2a: {  	p0 =	seq.s32 s5, $0x0;
	s5 =	sld [smem:$0x3FB0]  }
0x2b: {  	s6 =	sld [smem:$0x3FB1]  }
0x2c: {  	s7 =	sld [smem:$0x3FB2]  }
0x2d: {  	s3 =	simm.s32 $0x108;
	s8 =	sld [smem:$0x3FB3]  }
0x2e: {  	s3 =	simm.s32 @!p0 $0x1082;
	s9 =	sld [smem:$0x3FB4]  }
0x2f: {  	lr =	sadd.s32 s0, s3;
	s0 =	sld [smem:$0x3FAB]  }
0x30: {  	s3 =	sld [smem:$0x3FAE]  }
0x31: {  	[smem:$0x3FB7] =	sst s10  }
0x32: {  	s10 =	sld [smem:$0x3FB5];
	_ =	sdelay $0x3  }
0x33: {  	p0 =	seq.s32 s10, $0x1;
	s10 =	sld [smem:$0x3FB7];
	_ =	sdelay $0x3  }
0x34: {  	[smem:$0x3FB7] =	sst s10  }
0x35: {  	s10 =	sld [smem:$0x3FB6];
	_ =	sdelay $0x3  }
0x36: {  	p1 =	seq.s32 s10, $0x1;
	s10 =	sld [smem:$0x3FB7];
	_ =	sdelay $0x3  }
0x37: {  	[smem:$0x3FB7] =	sst s10  }
0x38: {  	s10 =	sld [smem:$0x3FB8]  }
0x39: {  	_ = 	snop;
	(pc) =	sbr.ind lr, $3  }
0x3a: {  	_ = 	snop  }
0x3b: {  	_ = 	snop  }
0x3c: {  	p2 =	seq.s32 s10, $0x1;
	s10 =	sld [smem:$0x3FB7]  }
0x3d: {  	_ =	shalt  }
0x3e: {  	_ =	shalt  }
0x3f: {  	_ =	shalt  }
0x40: {  	_ =	shalt  }
0x41: {  	_ =	shalt  }
0x42: {  	_ =	shalt  }
0x43: {  	_ =	shalt  }
0x44: {  	_ =	shalt  }
0x45: {  	_ =	shalt  }
0x46: {  	_ =	shalt  }
0x47: {  	_ =	shalt  }
0x48: {  	_ =	shalt  }
0x49: {  	_ =	shalt  }
0x4a: {  	_ =	shalt  }
0x4b: {  	_ =	shalt  }
0x4c: {  	_ =	shalt  }
0x4d: {  	_ =	shalt  }
0x4e: {  	_ =	shalt  }
0x4f: {  	_ =	shalt  }
0x50: {  	_ =	shalt  }
0x51: {  	_ =	shalt  }
0x52: {  	_ =	shalt  }
0x53: {  	_ =	shalt  }
0x54: {  	_ =	shalt  }
0x55: {  	_ =	shalt  }
0x56: {  	_ =	shalt  }
0x57: {  	_ =	shalt  }
0x58: {  	_ =	shalt  }
0x59: {  	_ =	shalt  }
0x5a: {  	_ =	shalt  }
0x5b: {  	_ =	shalt  }
0x5c: {  	_ =	shalt  }
0x5d: {  	_ =	shalt  }
0x5e: {  	_ =	shalt  }
0x5f: {  	_ =	shalt  }
0x60: {  	_ =	shalt  }
0x61: {  	_ =	shalt  }
0x62: {  	_ =	shalt  }
0x63: {  	_ =	shalt  }
0x64: {  	_ =	shalt  }
0x65: {  	_ =	shalt  }
0x66: {  	_ =	shalt  }
0x67: {  	_ =	shalt  }
0x68: {  	_ =	shalt  }
0x69: {  	_ =	shalt  }
0x6a: {  	_ =	shalt  }
0x6b: {  	_ =	shalt  }
0x6c: {  	_ =	shalt  }
0x6d: {  	_ =	shalt  }
0x6e: {  	_ =	shalt  }
0x6f: {  	_ =	shalt  }
0x70: {  	_ =	shalt  }
0x71: {  	_ =	shalt  }
0x72: {  	_ =	shalt  }
0x73: {  	_ =	shalt  }
0x74: {  	_ =	shalt  }
0x75: {  	_ =	shalt  }
0x76: {  	_ =	shalt  }
0x77: {  	_ =	shalt  }
0x78: {  	_ =	shalt  }
0x79: {  	_ =	shalt  }
0x7a: {  	_ =	shalt  }
0x7b: {  	_ =	shalt  }
0x7c: {  	_ =	shalt  }
0x7d: {  	_ =	shalt  }
0x7e: {  	_ =	shalt  }
0x7f: {  	_ =	shalt  }
0x80: {  	_ =	shalt  }
0x81: {  	_ =	shalt  }
0x82: {  	_ =	shalt  }
0x83: {  	_ =	shalt  }
0x84: {  	_ =	shalt  }
0x85: {  	_ =	shalt  }
0x86: {  	_ =	shalt  }
0x87: {  	_ =	shalt  }
.Lfunc_end0:
.L_simem_size_0:
called_computation_lowered:
.L_overlay_start_0:
0x88: {  	s2 =	sld [smem:$0x3FD9]  }
0x89: {  	s3 =	sld [smem:$0x3FFE];
	_ =	sdelay $0x1  }
0x8a: {  	s1 =	srdreg.scid  }
0x8b: {  	s0 =	sand.u32 $0x1, s1  }
0x8c: {  	s15 =	sshll.u32 s0, $0xA;
	s2 =	sadd.s32 s3, s2  }
0x8d: {  	s3 =	sadd.s32 s2, s15  }
0x8e: {  	[smem:$0x3FC3] =	sst s3  }
0x8f: {  	_ = 	snop  }
0x90: {  	s3 =	sld [smem:$0x3FD0]  }
0x91: {  	s4 =	sld [smem:$0x3FC8]  }
0x92: {  	s5 =	sld [smem:$0x3FC6]  }
0x93: {  	s7 =	simm.s32 $0xA;
	s8 =	simm.s32 $0x10;
	s6 =	sld [smem:$0x3FC5]  }
0x94: {  	[smem:s8], [sflag:s7] =	dma.local [hbm:s3], $0x1  }
0x95: {  	_ =	swait.eq [sflag:s7], $0x1  }
0x96: {  	s16 =	sld [smem:$0x10];
	[sflag:s7] =	ssyncset.done $0x0  }
0x97: {  	s17 =	sld [smem:$0x11];
	[sflag:s7] =	ssyncadd.s32 $0xFFFFFFFF  }
0x98: {  	s18 =	sld [smem:$0x12];
	(tm) =	ssettm $0x1  }
0x99: {  	s9 =	sld [smem:$0x3FFB];
	_ =	sdelay $0x3  }
0x9a: {  	_ =	strace s9  }
0x9b: {  	s9 =	sld [smem:$0x3FFC];
	_ =	sdelay $0x3  }
0x9c: {  	_ =	strace s9  }
0x9d: {  	s9 =	sld [smem:$0x3FFD];
	_ =	sdelay $0x3  }
0x9e: {  	_ =	strace s9  }
0x9f: {  	_ =	strace $0x8FFFFFFF  }
0xa0: {  	s19 =	sld [smem:$0x3FDB];
	_ =	sdelay $0x1  }
0xa1: {  	s10 =	simm.s32 $_scs_section_size  }
0xa2: {  	s11 =	simm.s32 $_size__tile_overlayer_lowered;
	s12 =	simm.s32 $_tile_overlayer_lowered  }
0xa3: {  	s22 =	simm.s32 $0x1BFF;
	s21 =	sshll.u32 s12, $0x1;
	s9 =	sadd.s32 s10, s19  }
0xa4: {  	s13 =	simm.s32 $0x0;
	s20 =	sshll.u32 s11, $0x1;
	s11 =	sadd.s32 s21, s9  }
0xa5: {  	[timem:s13], [sflag:s22] =	dma.local [hbm:s11], s20  }
0xa6: {  	_ =	swait.ge [sflag:s22], s20  }
0xa7: {  	s10 =	ssub.s32 $0x0, s20;
	[sflag:s22] =	ssyncset.done $0x0  }
0xa8: {  	[sflag:s22] =	ssyncadd.s32 s10;
	_ =	sdelay $0x1  }
0xa9: {  	s23 =	simm.s32 $0x1B8B  }
0xaa: {  	_ =	swait.ge [sflag:s23], $0x1  }
0xab: {  	[sflag:s23] =	ssyncset.done $0x0  }
0xac: {  	s25 =	simm.s32 $0x1B8E;
	s24 =	sld [smem:$0x3FFE];
	[sflag:s23] =	ssyncadd.s32 $0xFFFFFFFF  }
0xad: {  	s26 =	simm.s32 $execute0_lowered;
	[smem:$0x3FD2] =	sst s25  }
0xae: {  	s11 =	sshll.u32 s26, $0x1;
	_ =	strace $0x80000046;
	[dreg:$0x1] =	wrdreg $0xFFFFFFFF  }
0xaf: {  	s28 =	simm.s32 $_size_execute0_lowered;
	s9 =	sadd.s32 s9, s11;
	[dreg:$0x0] =	wrdreg $0x0  }
0xb0: {  	s11 =	sshll.u32 s28, $0x1;
	[dreg:$0x2] =	wrdreg s9  }
0xb1: {  	[dreg:$0x3] =	wrdreg s11  }
0xb2: {  	[dreg:$0x4] =	wrdreg $0xC0  }
0xb3: {  	_ =	task [dreg:s13], $0x5FFFF  }
0xb4: {  	[dreg:$0x1] =	wrdreg $0xFFFFFFFF  }
0xb5: {  	[dreg:$0x0] =	wrdreg $0x60  }
0xb6: {  	[dreg:$0x2] =	wrdreg s24  }
0xb7: {  	[dreg:$0x3] =	wrdreg s4  }
0xb8: {  	[dreg:$0x4] =	wrdreg s5  }
0xb9: {  	[dreg:$0x5] =	wrdreg s6  }
0xba: {  	[dreg:$0x6] =	wrdreg s16  }
0xbb: {  	[dreg:$0x7] =	wrdreg s17  }
0xbc: {  	s2 =	sadd.s32 $0x800, s2;
	[dreg:$0x8] =	wrdreg s18  }
0xbd: {  	[dreg:$0x9] =	wrdreg s2  }
0xbe: {  	[dreg:$0xa] =	wrdreg $0x9  }
0xbf: {  	_ =	task.clear_ibuf [dreg:s13], $0xBFFFF;
	_ =	strace $0x90000046  }
0xc0: {  	s29 =	simm.s32 $0x9;
	_ =	strace $0x80000048  }
0xc1: {  	_ =	swait.ge [sflag:s29], $0x1  }
0xc2: {  	[sflag:s29] =	ssyncadd.s32 $0xFFFFFFFF  }
0xc3: {  	_ =	strace $0x90000048  }
0xc4: {  	_ =	sfence  }
0xc5: {  	s30 =	sld [smem:$0x0];
	_ =	sdelay $0x2  }
0xc6: {  	s31 =	sshll.u32 s1, $0xD;
	s1 =	sshrl.u32 s1, $0x2  }
0xc7: {  	s3 =	sand.u32 $0x4000, s31;
	s1 =	sadd.s32 s1, s30  }
0xc8: {  	s0 =	sor.u32 s3, s0;
	s1 =	sshll.u32 s1, $0x11  }
0xc9: {  	s0 =	sor.u32 s1, s0  }
0xca: {  	s0 =	sadd.s32 $0x8F2B, s0  }
0xcb: {  	[sflag:s0] =	ssyncadd.remote.s32 $0x1  }
0xcc: {  	_ =	sfence.sel $0xFFFF  }
0xcd: {  	[dreg:$0x0] =	wrdreg $0xFFFFFFFF;
	(pc) =	sbr.abs _section_cstart, $3  }
0xce: {  	[dreg:$0x1] =	wrdreg $0xFFFFFFFF  }
0xcf: {  	_ =	task.clear_ibuf [dreg:s13], $0x2FFFF;
	_ =	strace $0x9FFFFFFF  }
0xd0: {  	(tm) =	ssettm $0x7FFFFFFF  }
0xd1: {  	_ =	shalt  }
tec
execute0_lowered:
.L_overlay_start_1:
0x0: {  	(tag) =	ssettag $0x1  }
0x1: {  	s0 =	rddreg [dreg:$0x0]  }
0x2: {  	s1 =	rddreg [dreg:$0x1]  }
0x3: {  	s11 =	rddreg [dreg:$0x2]  }
0x4: {  	s14 =	rddreg [dreg:$0x4]  }
0x5: {  	s16 =	rddreg [dreg:$0x5]  }
0x6: {  	s17 =	rddreg [dreg:$0x6]  }
0x7: {  	s2 =	rddreg [dreg:$0x7];
	s3 =	simm.s32 $0x0  }
0x8: {  	s4 =	srdreg.scid;
	s19 =	stileid.u32;
	s28 =	simm.s32 $0x2800  }
0x9: {  	s29 =	simm.s32 $0x3000;
	s30 =	simm.s32 $0x3800;
	s31 =	simm.s32 $0x4000  }
0xa: {  	[smem:$0x7FF] =	sst s3;
	s18 =	sand.u32 $0x1, s4;
	s6 =	sadd.s32 $0x800, s0  }
0xb: {  	s0 =	sadd.s32 $0x3800, s0;
	p1 =	slt.u32 s19, $0x8;
	p0 =	sne.s32 s19, $0x0  }
0xc: {  	_ =	strace $0x80000047;
	s15 =	sshll.u32 s18, $0x3;
	s4 =	ssub.s32 $0x2, s18  }
0xd: {  	s13 =	sshll.u32 s18, $0x7;
	s14 =	sadd.s32 s14, s18;
	s16 =	sadd.s32 s16, s18  }
0xe: {  	s22 =	sadd.s32 s17, s18;
	s17 =	simm.s32 $0x4100;
	s20 =	sadd.s32 s19, s15  }
0xf: {  	s5 =	sshrl.u32 s4, $0x1;
	s23 =	sor.u32 $0x100, s13;
	[dreg:$0x9] =	wrdreg s14  }
0x10: {  	s24 =	sor.u32 $0x200, s13;
	s15 =	sor.u32 $0x4E00, s15;
	[dreg:$0xa] =	wrdreg s16  }
0x11: {  	[dreg:$0xb] =	wrdreg s22;
	s14 =	simm.s32 $0x4080;
	s12 =	sshll.u32 s20, $0x8  }
0x12: {  	s16 =	simm.s32 $0x2;
	s21 =	ssub.s32 s4, s5;
	s8 =	sadd.s32 $0x1000, s12  }
0x13: {  	s9 =	sor.u32 $0x2000, s12;
	s4 =	sadd.s32 s6, s12;
	s7 =	sadd.s32 s0, s12  }
0x14: {  	s10 =	sadd.s32 s1, s12;
	s11 =	sadd.s32 s11, s12;
	s12 =	sshll.u32 s20, $0x4  }
0x15: {  	s18 =	smax.u32 s21, $0x1;
	s5 =	sadd.s32 s6, s8;
	s6 =	sadd.s32 s6, s9  }
.Ltmp0:
0x16: {  	s8 =	sadd.s32 s0, s8;
	s9 =	sadd.s32 s0, s9;
	(pc) =	sbr.rel .LBB2_1-.Ltmp0, $4  }
0x17: {  	s25 =	sadd.s32 $0x100, s12;
	s26 =	sor.u32 $0x200, s12;
	s0 =	simm.s32 $0x1  }
0x18: {  	s21 =	sadd.s32 s2, s25;
	s22 =	sadd.s32 s2, s26;
	s25 =	sadd.s32 s2, s23  }
0x19: {  	v1 =	vlaneseq.u32;
	v0 =	vmov s20;
	s26 =	sadd.s32 s2, s24;
	s23 =	simm.s32 $0x4180;
	[dreg:$0xc] =	wrdreg s25  }
0x1a: {  	vm0 =	veq.s32 v0, v1;
	v0 =	vimm.f32 $0.0e+00;
	s24 =	simm.s32 $0x0;
	[dreg:$0xd] =	wrdreg s26;
	s26 =	simm.s32 $0x2000  }
.LBB2_2:
0x1b: {  	[bflag:$0x0] =	sbarrier.arrive $0xFFFF  }
.LBB2_12:
0x1c: {  	s24 =	sadd.s32 $0x1, s24  }
0x1d: {  	p2 =	sne.s32 s24, s18  }
.Ltmp1:
0x1e: {  	_ = 	snop;
	(pc) =	sbr.rel @!p2 .LBB2_13-.Ltmp1, $1  }
0x1f: {  	_ =	sdelay $0x3  }
.LBB2_1:
.Ltmp2:
0x20: {  	(pc) =	sbr.rel @!p1 .LBB2_2-.Ltmp2, $1  }
0x21: {  	_ =	sdelay $0x3  }
0x22: {  	s1 =	simm.s32 $0x0  }
0x23: {  	[tilespmem:s1], [sflag:$0x1] =	stream.linear.gather [hbm4b:s4+s1], $0x800, $0x38;
	[tilespmem:$0x4E80] =	vst v63  }
0x24: {  	s19 =	simm.s32 $0x800  }
0x25: {  	[tilespmem:s19], [sflag:$0x1] =	stream.linear.gather [hbm4b:s5+s1], $0x800, $0x38;
	[tilespmem:$0x4E80] =	vst v63  }
0x26: {  	s25 =	simm.s32 $0x1000  }
0x27: {  	[tilespmem:s25], [sflag:$0x1] =	stream.linear.gather [hbm4b:s6+s1], $0x800, $0x38;
	[tilespmem:$0x4E80] =	vst v63  }
0x28: {  	s20 =	simm.s32 $0x1800  }
0x29: {  	[tilespmem:s20], [sflag:$0x1] =	stream.linear.gather [hbm4b:s7+s1], $0x800, $0x38;
	[tilespmem:$0x4E80] =	vst v63  }
0x2a: {  	_ = 	snop  }
0x2b: {  	[tilespmem:s26], [sflag:$0x1] =	stream.linear.gather [hbm4b:s8+s1], $0x800, $0x38;
	[tilespmem:$0x4E80] =	vst v63  }
0x2c: {  	_ = 	snop  }
0x2d: {  	[tilespmem:s28], [sflag:$0x1] =	stream.linear.gather [hbm4b:s9+s1], $0x800, $0x38;
	[tilespmem:$0x4E80] =	vst v63  }
0x2e: {  	_ = 	snop  }
0x2f: {  	[tilespmem:s29], [sflag:$0x1] =	stream.linear.gather [hbm4b:s10+s1], $0x800, $0x38;
	[tilespmem:$0x4E80] =	vst v63  }
0x30: {  	_ = 	snop  }
0x31: {  	[tilespmem:s30], [sflag:$0x1] =	stream.linear.gather [hbm4b:s11+s1], $0x800, $0x38;
	[tilespmem:$0x4E80] =	vst v63  }
0x32: {  	s25 =	rddreg [dreg:$0x3]  }
0x33: {  	[tilespmem:s31], [sflag:$0x1] =	stream.linear.gather [hbm4b:s25+s1], $0x80, $0x38;
	[tilespmem:$0x4E80] =	vst v63  }
0x34: {  	_ =	swait.ge [sflag:s0], $0x800  }
0x35: {  	[sflag:s0] =	ssyncset.done $0x0  }
0x36: {  	[sflag:s0] =	ssyncadd.s32 $0xFFFFF800  }
0x37: {  	_ =	swait.ge [sflag:s0], $0x800  }
0x38: {  	[sflag:s0] =	ssyncset.done $0x0  }
0x39: {  	[sflag:s0] =	ssyncadd.s32 $0xFFFFF800  }
0x3a: {  	_ =	swait.ge [sflag:s0], $0x800  }
0x3b: {  	[sflag:s0] =	ssyncset.done $0x0  }
0x3c: {  	[sflag:s0] =	ssyncadd.s32 $0xFFFFF800  }
0x3d: {  	_ =	swait.ge [sflag:s0], $0x800  }
0x3e: {  	[sflag:s0] =	ssyncset.done $0x0  }
0x3f: {  	[sflag:s0] =	ssyncadd.s32 $0xFFFFF800  }
0x40: {  	_ =	swait.ge [sflag:s0], $0x800  }
0x41: {  	[sflag:s0] =	ssyncset.done $0x0  }
0x42: {  	[sflag:s0] =	ssyncadd.s32 $0xFFFFF800  }
0x43: {  	_ =	swait.ge [sflag:s0], $0x800  }
0x44: {  	[sflag:s0] =	ssyncset.done $0x0  }
0x45: {  	[sflag:s0] =	ssyncadd.s32 $0xFFFFF800  }
0x46: {  	_ =	swait.ge [sflag:s0], $0x800  }
0x47: {  	[sflag:s0] =	ssyncset.done $0x0  }
0x48: {  	[sflag:s0] =	ssyncadd.s32 $0xFFFFF800  }
0x49: {  	_ =	swait.ge [sflag:s0], $0x800  }
0x4a: {  	[sflag:s0] =	ssyncset.done $0x0  }
0x4b: {  	[sflag:s0] =	ssyncadd.s32 $0xFFFFF800  }
0x4c: {  	_ =	swait.ge [sflag:s0], $0x80  }
0x4d: {  	[sflag:s0] =	ssyncset.done $0x0  }
0x4e: {  	[sflag:s0] =	ssyncadd.s32 $0xFFFFFF80  }
0x4f: {  	v1 =	vld [tilespmem:$0x4000];
	_ =	sdelay $0x4  }
0x50: {  	v1 =	vmul.f32 $1.177218250e+01, v1;
	_ =	sdelay $0x1  }
0x51: {  	v1 =	vmul.f32 $1.442695020e+00, v1;
	_ =	sdelay $0x1  }
0x52: {  	(erf) = vpow2.f32 v1;
	_ =	sdelay $0x8  }
0x53: {  	v1 =	vpop (erf)  }
0x54: {  	s1 =	simm.s32 $0x0;
	v1 =	vmul.f32 $2.350442950e-09, v1  }
0x55: {  	v2 =	vld [tilespmem:s1+$0x1030]  }
0x56: {  	v4 =	vld [tilespmem:s1+$0x2830];
	(erf) = vrcp.f32 v1  }
0x57: {  	v5 =	vld [tilespmem:s1+$0x1020]  }
0x58: {  	v6 =	vld [tilespmem:s1+$0x2820]  }
0x59: {  	v7 =	vld [tilespmem:s1+$0x30]  }
0x5a: {  	v8 =	vld [tilespmem:s1+$0x1830]  }
0x5b: {  	v9 =	vld [tilespmem:s1+$0x830]  }
0x5c: {  	v10 =	vld [tilespmem:s1+$0x2030]  }
0x5d: {  	v11 =	vld [tilespmem:s1+$0x20]  }
0x5e: {  	v12 =	vld [tilespmem:s1+$0x1820]  }
0x5f: {  	v17 =	vld [tilespmem:s1+$0x3030];
	v1 =	vnsel vm0, $0x0, v1;
	v3 =	vpop (erf)  }
0x60: {  	v21 =	vld [tilespmem:s1+$0x3020];
	(xrf2) =	vadd.scan.msk.f32 $0xffff, v1;
	v1 =	vnsel vm0, $0x0, v3  }
0x61: {  	v22 =	vld [tilespmem:s1+$0x3820];
	(xrf2) =	vadd.scan.msk.f32 $0xffff, v1  }
0x62: {  	v23 =	vld [tilespmem:s1+$0x3010]  }
0x63: {  	v24 =	vld [tilespmem:s1+$0x3810]  }
0x64: {  	v18 =	vld [tilespmem:s1+$0x3830]  }
0x65: {  	v13 =	vld [tilespmem:s1+$0x820];
	v4 =	vsub.f32 v2, v4  }
0x66: {  	v14 =	vld [tilespmem:s1+$0x2020];
	v5 =	vsub.f32 v5, v6;
	v6 =	vsub.f32 v7, v8  }
0x67: {  	v15 =	vld [tilespmem:s1+$0x1010];
	v7 =	vsub.f32 v9, v10;
	v25 =	vsub.f32 v11, v12  }
0x68: {  	v19 =	vld [tilespmem:s1+$0x3000];
	v22 =	vsub.f32 v21, v22;
	v23 =	vsub.f32 v23, v24  }
0x69: {  	v20 =	vld [tilespmem:s1+$0x3800];
	v11 =	vmul.f32 v5, v5;
	v8 =	vmul.f32 v4, v4;
	v4 =	vsub.f32 v17, v18  }
0x6a: {  	v12 =	vld [tilespmem:s1+$0x2810];
	v9 =	vmul.f32 v6, v6;
	v10 =	vmul.f32 v7, v7;
	v6 =	vimm.f32 $0.0e+00;
	v1, _, _ =	vpop (xrf2)  }
0x6b: {  	v17 =	vld [tilespmem:s1+$0x1810];
	v7 =	vimm.f32 $0.0e+00;
	v5 =	vimm.f32 $0.0e+00;
	v21 =	vmul.f32 $3.678794500e-01, v4;
	v16, _, _ =	vpop (xrf2)  }
0x6c: {  	v18 =	vld [tilespmem:s1+$0x810];
	v4 =	vimm.f32 $0.0e+00;
	v2 =	vbroadcast v16, $0xF;
	v16 =	vsub.f32 v13, v14  }
0x6d: {  	s19 =	simm.s32 $0x100;
	v3 =	vimm.f32 $0.0e+00;
	v1 =	vbroadcast v1, $0xF;
	v14 =	vld [tilespmem:s1+$0x10];
	v13 =	vmul.f32 v25, v25  }
.LBB2_4:
0x6e: {  	p2 =	sne.s32 s19, $0x1F00;
	v19 =	vsub.f32 v19, v20;
	v20 =	vld [tilespmem:s1+$0x2010];
	v16 =	vmul.f32 v16, v16;
	v22 =	vmul.f32 $3.678794500e-01, v22  }
0x6f: {  	v24 =	vld [tilespmem:s1+$0x0];
	v23 =	vmul.f32 $3.678794500e-01, v23;
	v25 =	vmul.f32 $-5.000000000e-01, v21  }
0x70: {  	v26 =	vld [tilespmem:s1+$0x1800];
	v19 =	vmul.f32 $3.678794500e-01, v19;
	v27 =	vmul.f32 $-5.000000000e-01, v22  }
0x71: {  	v28 =	vld [tilespmem:s1+$0x800];
	v29 =	vmul.f32 $-5.000000000e-01, v23;
	v21 =	vmul.f32 v25, v21  }
0x72: {  	v25 =	vld [tilespmem:s1+$0x2000];
	v30 =	vmul.f32 $-5.000000000e-01, v19;
	v22 =	vmul.f32 v27, v22  }
0x73: {  	v27 =	vld [tilespmem:s1+$0x1000];
	v23 =	vmul.f32 v29, v23;
	v21 =	vmul.f32 $1.442695020e+00, v21  }
0x74: {  	v14 =	vsub.f32 v14, v17;
	v29 =	vld [tilespmem:s1+$0x2800];
	v19 =	vmul.f32 v30, v19;
	v17 =	vmul.f32 $1.442695020e+00, v22  }
0x75: {  	v18 =	vsub.f32 v18, v20;
	v20 =	vmul.f32 $1.442695020e+00, v23;
	(erf) = vpow2.f32 v21  }
0x76: {  	v21 =	vsub.f32 v24, v26;
	v19 =	vmul.f32 $1.442695020e+00, v19;
	(erf) = vpow2.f32 v17  }
0x77: {  	v14 =	vmul.f32 v14, v14;
	v17 =	vsub.f32 v28, v25;
	(erf) = vpow2.f32 v20  }
0x78: {  	v12 =	vsub.f32 v15, v12;
	v15 =	vmul.f32 v18, v18;
	(erf) = vpow2.f32 v19  }
0x79: {  	v19 =	vmul.f32 v21, v21;
	v18 =	vsub.f32 v27, v29;
	v17 =	vmul.f32 v17, v17  }
0x7a: {  	v9 =	vadd.f32 v10, v9;
	v13 =	vadd.f32 v16, v13;
	v12 =	vmul.f32 v12, v12  }
0x7b: {  	v15 =	vadd.f32 v15, v14;
	v10 =	vadd.f32 v17, v19;
	v16 =	vmul.f32 v18, v18  }
0x7c: {  	v11 =	vadd.f32 v11, v13;
	v17 =	vadd.f32 v8, v9  }
0x7d: {  	v9 =	vadd.f32 v16, v10;
	v10 =	vadd.f32 v12, v15  }
0x7e: {  	v12 =	vmul.f32 v11, v2;
	v13 =	vmul.f32 v17, v2;
	v14 =	vpop (erf)  }
0x7f: {  	vm2 =	vlt.f32 v17, v1;
	v15 =	vmul.f32 v9, v2;
	v16 =	vmul.f32 v10, v2;
	v8 =	vpop (erf)  }
0x80: {  	v12 =	vsub.f32 $1.000000000e+00, v12;
	v14 =	vmul.f32 $1.467626690e-01, v14;
	v13 =	vsub.f32 $1.000000000e+00, v13;
	v17 =	vpop (erf)  }
0x81: {  	v8 =	vmul.f32 $1.467626690e-01, v8;
	v17 =	vmul.f32 $1.467626690e-01, v17;
	v16 =	vsub.f32 $1.000000000e+00, v16;
	v18 =	vpop (erf)  }
0x82: {  	s1 =	sshra.s32 s19, $0x2;
	v15 =	vsub.f32 $1.000000000e+00, v15;
	v14 =	vmul.f32 v14, v13;
	v18 =	vmul.f32 $1.467626690e-01, v18  }
0x83: {  	vm3 =	vlt.f32 v11, v1;
	v8 =	vmul.f32 v8, v12;
	v20 =	vld [tilespmem:s1+$0x1030];
	v13 =	vmul.f32 v17, v16  }
0x84: {  	vm4 =	vlt.f32 v9, v1;
	vm5 =	vlt.f32 v10, v1;
	v11 =	vld [tilespmem:s1+$0x2830];
	v9 =	vmul.f32 v18, v15  }
0x85: {  	v12 =	vnsel vm2, $0x0, v14;
	v10 =	vld [tilespmem:s1+$0x1020];
	v16 =	vnsel vm5, $0x0, v13;
	v13 =	vnsel vm3, $0x0, v8  }
0x86: {  	v14 =	vld [tilespmem:s1+$0x2820];
	v15 =	vnsel vm4, $0x0, v9;
	v8 =	vmax.f32 v13, $9.999999910e-38;
	v9 =	vmax.f32 v12, $9.999999910e-38  }
0x87: {  	v19 =	vmax.f32 v16, $9.999999910e-38;
	v17 =	vld [tilespmem:s1+$0x30];
	v18 =	vmax.f32 v15, $9.999999910e-38;
	v27 =	vadd.s32 $0x4AFB0D, v9  }
0x88: {  	v28 =	vadd.s32 $0x4AFB0D, v19;
	v29 =	vadd.s32 $0x4AFB0D, v8;
	v9 =	vld [tilespmem:s1+$0x1830];
	v8 =	vand.u32 $0x7FFFFF, v27  }
0x89: {  	v30 =	vadd.s32 $0x4AFB0D, v18;
	v18 =	vand.u32 $0x7FFFFF, v29;
	v8 =	vadd.s32 $0x3F3504F3, v8  }
0x8a: {  	v19 =	vand.u32 $0x7FFFFF, v28;
	v18 =	vadd.s32 $0x3F3504F3, v18;
	v23 =	vld [tilespmem:s1+$0x830];
	v21 =	vadd.f32 $-1.000000000e+00, v8  }
0x8b: {  	v22 =	vadd.s32 $0x3F3504F3, v19;
	v8 =	vand.u32 $0x7FFFFF, v30;
	v19 =	vadd.f32 $-1.000000000e+00, v18;
	v24 =	vld [tilespmem:s1+$0x2030]  }
0x8c: {  	v22 =	vadd.f32 $-1.000000000e+00, v22;
	v8 =	vadd.s32 $0x3F3504F3, v8;
	v18 =	vadd.f32 $2.000000000e+00, v21  }
0x8d: {  	v25 =	vadd.f32 $-1.000000000e+00, v8;
	v26 =	vadd.f32 $2.000000000e+00, v19  }
0x8e: {  	v8 =	vsub.f32 v20, v11;
	v20 =	vadd.f32 $2.000000000e+00, v22;
	(erf) = vrcp.f32 v18  }
0x8f: {  	v11 =	vsub.f32 v10, v14;
	v18 =	vadd.f32 $2.000000000e+00, v25;
	(erf) = vrcp.f32 v26  }
0x90: {  	v9 =	vsub.f32 v17, v9;
	v10 =	vsub.f32 v23, v24;
	(erf) = vrcp.f32 v20  }
0x91: {  	v14 =	vsel vm2, $0x3F800000, v0;
	v17 =	vsel vm3, $0x3F800000, v0;
	(erf) = vrcp.f32 v18  }
0x92: {  	vm1 =	vlt.f32 v12, $9.999999880e-27;
	v23 =	vsel vm4, $0x3F800000, v0;
	v20 =	vsel vm5, $0x3F800000, v0  }
0x93: {  	vm9 =	vgt.f32 v12, $0.0e+00;
	vm7 =	vlt.f32 v16, $9.999999880e-27;
	vm8 =	vlt.f32 v13, $9.999999880e-27  }
0x94: {  	vm10 =	vgt.f32 v16, $0.0e+00;
	vm11 =	vgt.f32 v13, $0.0e+00;
	vm6 =	vlt.f32 v15, $9.999999880e-27  }
0x95: {  	vm12 =	vgt.f32 v15, $0.0e+00;
	vm11 =	vmand vm3, vm11;
	vm2 =	vmand vm2, vm9  }
0x96: {  	vm9 =	vmand vm4, vm12;
	vm5 =	vmand vm5, vm10;
	v18 =	vsel vm2, $0x3F800000, v0  }
0x97: {  	v31 =	vmul.f32 $5.000000000e-01, v19;
	vm3 =	vmand vm8, vm11;
	v26 =	vmul.f32 $5.000000000e-01, v21;
	v32 =	vpop (erf)  }
0x98: {  	v34 =	vmul.f32 $5.000000000e-01, v22;
	v33 =	vmul.f32 $5.000000000e-01, v25;
	v24 =	vsel vm11, $0x3F800000, v0;
	v35 =	vpop (erf)  }
0x99: {  	vm4 =	vmand vm7, vm5;
	v36 =	vmul.f32 v26, v21;
	v32 =	vmul.f32 v32, v21;
	v37 =	vpop (erf)  }
0x9a: {  	v26 =	vsel vm5, $0x3F800000, v0;
	v35 =	vmul.f32 v35, v19;
	v37 =	vmul.f32 v37, v22;
	v38 =	vpop (erf)  }
0x9b: {  	vm5 =	vmand vm6, vm9;
	v39 =	vmul.f32 v32, v32;
	v38 =	vmul.f32 v38, v25  }
0x9c: {  	v40 =	vsel vm9, $0x3F800000, v0;
	v42 =	vmul.f32 v35, v35;
	v41 =	vmul.f32 v37, v37  }
0x9d: {  	v27 =	vshra.s32 v27, $0x17;
	v44 =	vmul.f32 v39, v39;
	v43 =	vmul.f32 v38, v38  }
0x9e: {  	v29 =	vshra.s32 v29, $0x17;
	v46 =	vmul.f32 v42, v42;
	v45 =	vmul.f32 v41, v41  }
0x9f: {  	v28 =	vshra.s32 v28, $0x17;
	v48 =	vmul.f32 $2.427907880e-01, v44;
	v47 =	vmul.f32 v43, v43  }
0xa0: {  	v30 =	vshra.s32 v30, $0x17;
	v50 =	vmul.f32 $2.849878670e-01, v44;
	v49 =	vmul.f32 $2.427907880e-01, v46  }
0xa1: {  	v27 =	vadd.s32 $0xFFFFFF81, v27;
	v52 =	vmul.f32 $2.849878670e-01, v46;
	v51 =	vmul.f32 $2.427907880e-01, v45  }
0xa2: {  	v48 =	vadd.f32 $4.000097220e-01, v48;
	v50 =	vadd.f32 $6.666666270e-01, v50;
	v53 =	vmul.f32 $2.427907880e-01, v47  }
0xa3: {  	v54 =	vmul.f32 $2.849878670e-01, v47;
	v49 =	vadd.f32 $4.000097220e-01, v49;
	v52 =	vadd.f32 $6.666666270e-01, v52  }
0xa4: {  	v55 =	vmul.f32 $2.849878670e-01, v45;
	v51 =	vadd.f32 $4.000097220e-01, v51;
	v53 =	vadd.f32 $4.000097220e-01, v53  }
0xa5: {  	v44 =	vmul.f32 v48, v44;
	v39 =	vmul.f32 v50, v39;
	v54 =	vadd.f32 $6.666666270e-01, v54  }
0xa6: {  	v48 =	vadd.f32 $6.666666270e-01, v55;
	v46 =	vmul.f32 v49, v46;
	v42 =	vmul.f32 v52, v42  }
0xa7: {  	v29 =	vadd.s32 $0xFFFFFF81, v29;
	v47 =	vmul.f32 v53, v47;
	v43 =	vmul.f32 v54, v43  }
0xa8: {  	v30 =	vadd.s32 $0xFFFFFF81, v30;
	v45 =	vmul.f32 v51, v45;
	v41 =	vmul.f32 v48, v41  }
0xa9: {  	v33 =	vmul.f32 v33, v25;
	v39 =	vadd.f32 v44, v39;
	v43 =	vadd.f32 v47, v43  }
0xaa: {  	v31 =	vmul.f32 v31, v19;
	v42 =	vadd.f32 v46, v42;
	v41 =	vadd.f32 v45, v41  }
0xab: {  	v34 =	vmul.f32 v34, v22;
	v39 =	vadd.f32 v39, v36;
	v43 =	vadd.f32 v43, v33  }
0xac: {  	v29 =	vcvt.s32.f32 v29;
	v27 =	vcvt.s32.f32 v27;
	v42 =	vadd.f32 v42, v31  }
0xad: {  	v41 =	vadd.f32 v41, v34;
	v32 =	vmul.f32 v39, v32;
	v38 =	vmul.f32 v43, v38  }
0xae: {  	v28 =	vadd.s32 $0xFFFFFF81, v28;
	v30 =	vcvt.s32.f32 v30;
	v35 =	vmul.f32 v42, v35  }
0xaf: {  	v37 =	vmul.f32 v41, v37;
	v32 =	vsub.f32 v32, v36;
	v33 =	vsub.f32 v38, v33  }
0xb0: {  	v3 =	vadd.f32 v15, v3;
	v28 =	vcvt.s32.f32 v28;
	v31 =	vsub.f32 v35, v31  }
0xb1: {  	v30 =	vmul.f32 $6.931471820e-01, v30;
	v25 =	vadd.f32 v33, v25;
	v33 =	vsub.f32 v37, v34  }
0xb2: {  	v3 =	vadd.f32 v16, v3;
	v16 =	vadd.f32 v32, v21;
	v21 =	vmul.f32 $6.931471820e-01, v27;
	v15 =	vld [tilespmem:s1+$0x1010]  }
0xb3: {  	v28 =	vmul.f32 $6.931471820e-01, v28;
	v25 =	vadd.f32 v25, v30;
	v22 =	vadd.f32 v33, v22;
	v27 =	vld [tilespmem:s1+$0x20]  }
0xb4: {  	v3 =	vadd.f32 v13, v3;
	v29 =	vmul.f32 $6.931471820e-01, v29;
	v19 =	vadd.f32 v31, v19;
	v30 =	vld [tilespmem:s1+$0x1820]  }
0xb5: {  	v16 =	vadd.f32 v16, v21;
	v25 =	vmul.f32 v25, v40;
	v22 =	vadd.f32 v22, v28;
	v13 =	vld [tilespmem:s1+$0x820]  }
0xb6: {  	v3 =	vadd.f32 v12, v3;
	v19 =	vadd.f32 v19, v29;
	v28 =	vsel vm5, $0x3F800000, v0;
	v21 =	vld [tilespmem:s1+$0x2020]  }
0xb7: {  	v6 =	vadd.f32 v23, v6;
	v7 =	vadd.f32 v25, v7;
	v12 =	vmul.f32 v22, v26;
	v29 =	vld [tilespmem:s1+$0x3030]  }
0xb8: {  	v5 =	vadd.f32 v40, v5;
	v23 =	vsel vm4, $0x3F800000, v0;
	v4 =	vadd.f32 v28, v4;
	v22 =	vld [tilespmem:s1+$0x3830]  }
0xb9: {  	v6 =	vadd.f32 v20, v6;
	v7 =	vadd.f32 v12, v7;
	v12 =	vmul.f32 v19, v24;
	v25 =	vld [tilespmem:s1+$0x3020]  }
0xba: {  	v5 =	vadd.f32 v26, v5;
	v4 =	vadd.f32 v23, v4;
	v19 =	vsel vm3, $0x3F800000, v0;
	v28 =	vld [tilespmem:s1+$0x3820]  }
0xbb: {  	v6 =	vadd.f32 v17, v6;
	v7 =	vadd.f32 v12, v7;
	v12 =	vmul.f32 v16, v18;
	v23 =	vld [tilespmem:s1+$0x3010]  }
0xbc: {  	vm1 =	vmand vm1, vm2;
	v5 =	vadd.f32 v24, v5;
	v4 =	vadd.f32 v19, v4;
	v26 =	vld [tilespmem:s1+$0x3810]  }
0xbd: {  	v6 =	vadd.f32 v14, v6;
	v16 =	vsel vm1, $0x3F800000, v0;
	v7 =	vadd.f32 v12, v7;
	v19 =	vld [tilespmem:s1+$0x3000]  }
.Ltmp3:
0xbe: {  	v5 =	vadd.f32 v18, v5;
	v4 =	vadd.f32 v16, v4;
	v20 =	vld [tilespmem:s1+$0x3800];
	(pc) =	sbr.rel @p2 .LBB2_4-.Ltmp3, $4  }
0xbf: {  	v24 =	vsub.f32 v27, v30;
	v16 =	vsub.f32 v13, v21;
	v12 =	vld [tilespmem:s1+$0x2810]  }
0xc0: {  	v11 =	vmul.f32 v11, v11;
	v8 =	vmul.f32 v8, v8;
	v21 =	vsub.f32 v29, v22;
	v14 =	vld [tilespmem:s1+$0x10]  }
0xc1: {  	v9 =	vmul.f32 v9, v9;
	v10 =	vmul.f32 v10, v10;
	v22 =	vsub.f32 v25, v28;
	v17 =	vld [tilespmem:s1+$0x1810]  }
0xc2: {  	s19 =	sadd.s32 $0x100, s19;
	v13 =	vmul.f32 v24, v24;
	v21 =	vmul.f32 $3.678794500e-01, v21;
	v23 =	vsub.f32 v23, v26;
	v18 =	vld [tilespmem:s1+$0x810]  }
0xc3: {  	v19 =	vsub.f32 v19, v20;
	v58 =	vmul.f32 $3.678794500e-01, v22  }
0xc4: {  	v59 =	vld [tilespmem:s1+$0x2010];
	v23 =	vmul.f32 $3.678794500e-01, v23;
	v24 =	vmul.f32 $-5.000000000e-01, v21  }
0xc5: {  	v25 =	vld [tilespmem:s1+$0x0];
	v19 =	vmul.f32 $3.678794500e-01, v19;
	v26 =	vmul.f32 $-5.000000000e-01, v58  }
0xc6: {  	v27 =	vld [tilespmem:s1+$0x1800];
	v28 =	vmul.f32 $-5.000000000e-01, v23;
	v21 =	vmul.f32 v24, v21  }
0xc7: {  	v60 =	vld [tilespmem:s1+$0x800];
	v29 =	vmul.f32 $-5.000000000e-01, v19;
	v20 =	vmul.f32 v26, v58  }
0xc8: {  	v61 =	vld [tilespmem:s1+$0x2000];
	v23 =	vmul.f32 v28, v23;
	v21 =	vmul.f32 $1.442695020e+00, v21  }
0xc9: {  	v62 =	vld [tilespmem:s1+$0x1000];
	v19 =	vmul.f32 v29, v19;
	v20 =	vmul.f32 $1.442695020e+00, v20  }
0xca: {  	v63 =	vld [tilespmem:s1+$0x2800];
	v23 =	vmul.f32 $1.442695020e+00, v23;
	(erf) = vpow2.f32 v21  }
0xcb: {  	v19 =	vmul.f32 $1.442695020e+00, v19;
	(erf) = vpow2.f32 v20  }
0xcc: {  	(erf) = vpow2.f32 v23  }
0xcd: {  	v25 =	vsub.f32 v25, v27;
	v27 =	vsub.f32 v60, v61;
	(erf) = vpow2.f32 v19  }
0xce: {  	v14 =	vsub.f32 v14, v17;
	v30 =	vsub.f32 v18, v59  }
0xcf: {  	v31 =	vsub.f32 v62, v63;
	v32 =	vmul.f32 v25, v25;
	v33 =	vmul.f32 v27, v27  }
0xd0: {  	v12 =	vsub.f32 v15, v12;
	v14 =	vmul.f32 v14, v14  }
0xd1: {  	v34 =	vmul.f32 v30, v30;
	v18 =	vmul.f32 v31, v31;
	v35 =	vadd.f32 v33, v32  }
0xd2: {  	v16 =	vmul.f32 v16, v16  }
0xd3: {  	v12 =	vmul.f32 v12, v12;
	v14 =	vadd.f32 v34, v14;
	v36 =	vadd.f32 v18, v35;
	v37 =	vpop (erf)  }
0xd4: {  	v13 =	vadd.f32 v16, v13;
	v38 =	vpop (erf)  }
0xd5: {  	v12 =	vadd.f32 v12, v14;
	v39 =	vmul.f32 v36, v2;
	v40 =	vpop (erf)  }
0xd6: {  	v9 =	vadd.f32 v10, v9;
	v10 =	vadd.f32 v11, v13;
	v11 =	vpop (erf)  }
0xd7: {  	v41 =	vmul.f32 v12, v2;
	v14 =	vsub.f32 $1.000000000e+00, v39;
	v11 =	vmul.f32 $1.467626690e-01, v11  }
0xd8: {  	v8 =	vadd.f32 v8, v9;
	v9 =	vmul.f32 v10, v2  }
0xd9: {  	v13 =	vsub.f32 $1.000000000e+00, v41;
	v18 =	vmul.f32 $1.467626690e-01, v40;
	v11 =	vmul.f32 v11, v14  }
0xda: {  	v42 =	vmul.f32 v8, v2;
	v9 =	vsub.f32 $1.000000000e+00, v9;
	vm3 =	vlt.f32 v36, v1  }
0xdb: {  	v43 =	vmul.f32 $1.467626690e-01, v38;
	v13 =	vmul.f32 v18, v13;
	v11 =	vnsel vm3, $0x0, v11  }
0xdc: {  	v45 =	vsub.f32 $1.000000000e+00, v42;
	vm6 =	vlt.f32 v12, v1;
	v3 =	vadd.f32 v11, v3  }
0xdd: {  	v44 =	vmul.f32 $1.467626690e-01, v37;
	v9 =	vmul.f32 v43, v9;
	v46 =	vnsel vm6, $0x0, v13  }
0xde: {  	vm2 =	vlt.f32 v10, v1;
	v3 =	vadd.f32 v46, v3  }
0xdf: {  	v10 =	vmul.f32 v44, v45;
	v15 =	vnsel vm2, $0x0, v9  }
0xe0: {  	vm5 =	vlt.f32 v8, v1;
	v3 =	vadd.f32 v15, v3  }
0xe1: {  	v8 =	vnsel vm5, $0x0, v10  }
0xe2: {  	v3 =	vadd.f32 v8, v3;
	_ =	sdelay $0x1  }
0xe3: {  	v9 =	vmax.f32 v8, $9.999999910e-38;
	(xrf2) =	vadd.scan.msk.f32 $0xffff, v3;
	v3 =	vmax.f32 v15, $9.999999910e-38  }
0xe4: {  	v48 =	vadd.s32 $0x4AFB0D, v9;
	v50 =	vadd.s32 $0x4AFB0D, v3  }
0xe5: {  	v10 =	vmax.f32 v11, $9.999999910e-38;
	v3 =	vand.u32 $0x7FFFFF, v48;
	v9 =	vand.u32 $0x7FFFFF, v50  }
0xe6: {  	v51 =	vadd.s32 $0x4AFB0D, v10;
	v3 =	vadd.s32 $0x3F3504F3, v3;
	v9 =	vadd.s32 $0x3F3504F3, v9  }
0xe7: {  	v52 =	vadd.f32 $-1.000000000e+00, v3;
	v3 =	vand.u32 $0x7FFFFF, v51;
	v13 =	vadd.f32 $-1.000000000e+00, v9  }
0xe8: {  	v3 =	vadd.s32 $0x3F3504F3, v3  }
0xe9: {  	v54 =	vadd.f32 $-1.000000000e+00, v3;
	v3 =	vadd.f32 $2.000000000e+00, v13  }
0xea: {  	v9 =	vadd.f32 $2.000000000e+00, v52;
	_ =	sdelay $0x1  }
0xeb: {  	v47 =	vmax.f32 v46, $9.999999910e-38;
	(erf) = vrcp.f32 v9  }
0xec: {  	v23 =	vsel vm3, $0x3F800000, v0;
	v49 =	vadd.s32 $0x4AFB0D, v47;
	(erf) = vrcp.f32 v3;
	v3, _, _ =	vpop (xrf2)  }
0xed: {  	v6 =	vadd.f32 v23, v6;
	v10 =	vand.u32 $0x7FFFFF, v49;
	(v2sf) =	vpush v3, $0xF  }
0xee: {  	v12 =	vsel vm6, $0x3F800000, v0;
	v10 =	vadd.s32 $0x3F3504F3, v10  }
0xef: {  	v6 =	vadd.f32 v12, v6;
	v53 =	vadd.f32 $-1.000000000e+00, v10  }
0xf0: {  	vm1 =	vlt.f32 v8, $9.999999880e-27;
	vm9 =	vgt.f32 v8, $0.0e+00;
	vm8 =	vlt.f32 v15, $9.999999880e-27  }
0xf1: {  	vm11 =	vgt.f32 v15, $0.0e+00;
	vm7 =	vlt.f32 v46, $9.999999880e-27;
	v10 =	vadd.f32 $2.000000000e+00, v53  }
0xf2: {  	vm10 =	vgt.f32 v46, $0.0e+00;
	vm11 =	vmand vm2, vm11;
	v9 =	vadd.f32 $2.000000000e+00, v54  }
0xf3: {  	v16 =	vshra.s32 v48, $0x17;
	vm4 =	vlt.f32 v11, $9.999999880e-27;
	(erf) = vrcp.f32 v10  }
0xf4: {  	vm12 =	vgt.f32 v11, $0.0e+00;
	vm15 =	vmand vm6, vm10;
	(erf) = vrcp.f32 v9  }
0xf5: {  	v28 =	vsel vm11, $0x3F800000, v0;
	v16 =	vadd.s32 $0xFFFFFF81, v16;
	vm14 =	vmand vm3, vm12  }
0xf6: {  	vm3 =	vmand vm8, vm11;
	vm6 =	vmand vm7, vm15;
	v17 =	vshra.s32 v49, $0x17  }
0xf7: {  	v16 =	vcvt.s32.f32 v16;
	v19 =	vshra.s32 v51, $0x17;
	v17 =	vadd.s32 $0xFFFFFF81, v17  }
0xf8: {  	v34 =	vsel vm14, $0x3F800000, v0;
	v19 =	vadd.s32 $0xFFFFFF81, v19;
	v17 =	vcvt.s32.f32 v17  }
0xf9: {  	v5 =	vadd.f32 v34, v5;
	v19 =	vcvt.s32.f32 v19;
	v59 =	vmul.f32 $5.000000000e-01, v53  }
0xfa: {  	v31 =	vsel vm15, $0x3F800000, v0;
	v16 =	vmul.f32 $6.931471820e-01, v16;
	v17 =	vmul.f32 $6.931471820e-01, v17;
	v8 =	vpop (erf)  }
0xfb: {  	v5 =	vadd.f32 v31, v5;
	v19 =	vmul.f32 $6.931471820e-01, v19;
	v26 =	vmul.f32 v59, v53;
	v58 =	vpop (erf)  }
0xfc: {  	vm4 =	vmand vm4, vm14;
	v56 =	vmul.f32 $5.000000000e-01, v52;
	v60 =	vmul.f32 v8, v52;
	v8 =	vpop (erf);
	s25 =	spop (v2sf)  }
0xfd: {  	v5 =	vadd.f32 v28, v5;
	v55 =	vmul.f32 $5.000000000e-01, v13;
	v61 =	vmul.f32 v8, v53;
	v8 =	vpop (erf);
	s1 =	smax.f32 s25, $1.000000000e-30  }
0xfe: {  	v57 =	vmul.f32 $5.000000000e-01, v54;
	v30 =	vmul.f32 v8, v54;
	v8 =	vmov s1  }
0xff: {  	v15 =	vmul.f32 v56, v52;
	v32 =	vmul.f32 v60, v60;
	v46 =	vadd.s32 $0x4AFB0D, v8  }
0x100: {  	v14 =	vmul.f32 v55, v13;
	v25 =	vmul.f32 v58, v13;
	v48 =	vand.u32 $0x7FFFFF, v46  }
0x101: {  	v37 =	vmul.f32 v32, v32;
	v36 =	vmul.f32 v30, v30;
	v48 =	vadd.s32 $0x3F3504F3, v48  }
0x102: {  	v24 =	vmul.f32 v57, v54;
	v35 =	vmul.f32 v25, v25;
	v48 =	vadd.f32 $-1.000000000e+00, v48  }
0x103: {  	v18 =	vshra.s32 v50, $0x17;
	v41 =	vmul.f32 $2.427907880e-01, v37;
	v40 =	vmul.f32 v36, v36  }
0x104: {  	v33 =	vmul.f32 v61, v61;
	v43 =	vmul.f32 $2.849878670e-01, v37;
	v62 =	vadd.f32 $2.000000000e+00, v48  }
0x105: {  	v39 =	vmul.f32 v35, v35;
	v41 =	vadd.f32 $4.000097220e-01, v41;
	v47 =	vmul.f32 $2.427907880e-01, v40  }
0x106: {  	v43 =	vadd.f32 $6.666666270e-01, v43;
	v49 =	vmul.f32 $2.849878670e-01, v40;
	(erf) = vrcp.f32 v62  }
0x107: {  	v10 =	vsel vm2, $0x3F800000, v0;
	v38 =	vmul.f32 v33, v33;
	v37 =	vmul.f32 v41, v37  }
0x108: {  	v32 =	vmul.f32 v43, v32;
	v47 =	vadd.f32 $4.000097220e-01, v47;
	v49 =	vadd.f32 $6.666666270e-01, v49  }
0x109: {  	vm2 =	vmand vm5, vm9;
	v42 =	vmul.f32 $2.427907880e-01, v39;
	v45 =	vmul.f32 $2.849878670e-01, v39  }
0x10a: {  	v32 =	vadd.f32 v37, v32;
	v40 =	vmul.f32 v47, v40;
	v36 =	vmul.f32 v49, v36  }
0x10b: {  	v44 =	vmul.f32 $2.427907880e-01, v38;
	v42 =	vadd.f32 $4.000097220e-01, v42;
	v45 =	vadd.f32 $6.666666270e-01, v45  }
0x10c: {  	v50 =	vmul.f32 $2.849878670e-01, v38;
	v32 =	vadd.f32 v32, v15;
	v36 =	vadd.f32 v40, v36  }
0x10d: {  	v57 =	vsel vm4, $0x3F800000, v0;
	v39 =	vmul.f32 v42, v39;
	v35 =	vmul.f32 v45, v35  }
0x10e: {  	v44 =	vadd.f32 $4.000097220e-01, v44;
	v27 =	vmul.f32 v32, v60;
	v36 =	vadd.f32 v36, v24  }
0x10f: {  	v11 =	vsel vm2, $0x3F800000, v0;
	v63 =	vadd.f32 $6.666666270e-01, v50;
	v35 =	vadd.f32 v39, v35;
	v49 =	vpop (erf)  }
0x110: {  	v15 =	vsub.f32 v27, v15;
	v30 =	vmul.f32 v36, v30;
	v50 =	vmul.f32 v49, v48  }
0x111: {  	v38 =	vmul.f32 v44, v38;
	v33 =	vmul.f32 v63, v33;
	v35 =	vadd.f32 v35, v14  }
0x112: {  	v15 =	vadd.f32 v15, v52;
	v24 =	vsub.f32 v30, v24;
	v52 =	vmul.f32 v50, v50  }
0x113: {  	v4 =	vadd.f32 v57, v4;
	v6 =	vadd.f32 v10, v6;
	v25 =	vmul.f32 v35, v25  }
0x114: {  	v33 =	vadd.f32 v38, v33;
	v22 =	vadd.f32 v24, v54;
	v54 =	vmul.f32 v52, v52  }
0x115: {  	v18 =	vadd.s32 $0xFFFFFF81, v18;
	v5 =	vadd.f32 v11, v5;
	v14 =	vsub.f32 v25, v14  }
0x116: {  	v33 =	vadd.f32 v33, v26;
	v55 =	vmul.f32 $2.427907880e-01, v54;
	v56 =	vmul.f32 $2.849878670e-01, v54  }
0x117: {  	v18 =	vcvt.s32.f32 v18;
	v13 =	vadd.f32 v14, v13;
	v15 =	vadd.f32 v15, v16  }
0x118: {  	v9 =	vsel vm5, $0x3F800000, v0;
	v14 =	vadd.f32 $4.000097220e-01, v55;
	v16 =	vadd.f32 $6.666666270e-01, v56  }
0x119: {  	v58 =	vsel vm6, $0x3F800000, v0;
	v29 =	vmul.f32 v33, v61;
	v61 =	vmul.f32 $5.000000000e-01, v48  }
0x11a: {  	v4 =	vadd.f32 v58, v4;
	v59 =	vmul.f32 v14, v54;
	v60 =	vmul.f32 v16, v52  }
0x11b: {  	v6 =	vadd.f32 v9, v6;
	v62 =	vsel vm3, $0x3F800000, v0;
	v51 =	vsub.f32 v29, v26  }
0x11c: {  	v63 =	vmul.f32 v61, v48;
	v4 =	vadd.f32 v62, v4;
	v10 =	vadd.f32 v59, v60  }
0x11d: {  	vm1 =	vmand vm1, vm2;
	v21 =	vadd.f32 v51, v53;
	v19 =	vadd.f32 v22, v19  }
0x11e: {  	v9 =	vsel vm1, $0x3F800000, v0;
	v53 =	vmul.f32 $6.931471820e-01, v18;
	v10 =	vadd.f32 v10, v63  }
0x11f: {  	(xrf2) =	vadd.scan.msk.f32 $0xffff, v6;
	v4 =	vadd.f32 v9, v4;
	v17 =	vadd.f32 v21, v17;
	v19 =	vmul.f32 v19, v34  }
0x120: {  	(xrf2) =	vadd.scan.msk.f32 $0xffff, v5;
	v5 =	vshra.s32 v46, $0x17;
	v13 =	vadd.f32 v13, v53;
	v6 =	vmul.f32 v10, v50  }
0x121: {  	(xrf2) =	vadd.scan.msk.f32 $0xffff, v4;
	v4 =	vadd.s32 $0xFFFFFF81, v5;
	v17 =	vmul.f32 v17, v31;
	v7 =	vadd.f32 v19, v7  }
0x122: {  	v4 =	vcvt.s32.f32 v4;
	v5 =	vsub.f32 v6, v63  }
0x123: {  	v13 =	vmul.f32 v13, v28;
	v7 =	vadd.f32 v17, v7  }
0x124: {  	v4 =	vmul.f32 $6.931471820e-01, v4;
	v5 =	vadd.f32 v5, v48  }
0x125: {  	v9 =	vmul.f32 v15, v11;
	v7 =	vadd.f32 v13, v7  }
0x126: {  	v4 =	vadd.f32 v5, v4  }
0x127: {  	v6 =	vadd.f32 v9, v7;
	_ =	sdelay $0x1  }
0x128: {  	(xrf2) =	vadd.scan.msk.f32 $0xffff, v6  }
0x129: {  	(xrf0) =	vmax.scan.msk.f32 $0xffff, v4;
	v4, _, _ =	vpop (xrf2)  }
0x12a: {  	v5, _, _ =	vpop (xrf2);
	(v2sf) =	vpush v4, $0xF  }
0x12b: {  	v6, _, _ =	vpop (xrf2);
	(v2sf) =	vpush v5, $0xF  }
0x12c: {  	(v2sf) =	vpush v6, $0xF;
	_ =	sdelay $0x5  }
0x12d: {  	v5, _, _ =	vpop (xrf0)  }
0x12e: {  	(v2sf) =	vpush v5, $0xF;
	v5, _, _ =	vpop (xrf2)  }
0x12f: {  	(v2sf) =	vpush v5, $0xF;
	_ =	sdelay $0x4  }
0x130: {  	s19 =	spop (v2sf)  }
0x131: {  	p2 =	slt.f32 s1, $9.999999970e-07;
	s20 =	spop (v2sf)  }
0x132: {  	s1 =	spop (v2sf)  }
0x133: {  	p3 =	sgt.f32 @!p2 s1, $0.0e+00;
	_ =	sdelay $0x1  }
0x134: {  	p2 =	por p2, p3  }
.Ltmp4:
0x135: {  	_ = 	snop;
	(pc) =	sbr.rel @p2 .LBB2_7-.Ltmp4, $3  }
0x136: {  	_ =	sdelay $0x1  }
0x137: {  	s1 =	spop (v2sf)  }
0x138: {  	s25 =	spop (v2sf)  }
0x139: {  	s1 =	smul.f32 s1, s20  }
.Ltmp5:
0x13a: {  	s19 =	ssub.f32 s19, s20;
	(pc) =	sbr.rel .LBB2_10-.Ltmp5, $4  }
0x13b: {  	_ = 	snop  }
0x13c: {  	s1 =	ssub.f32 s25, s1;
	s19 =	smul.f32 $-6.907755280e+01, s19  }
0x13d: {  	_ = 	snop  }
0x13e: {  	s1 =	sadd.f32 s19, s1  }
.LBB2_7:
0x13f: {  	s1 =	simm.s32 $0x0  }
0x140: {  	v5 =	vld [tilespmem:s1+$0x3000]  }
0x141: {  	v6 =	vld [tilespmem:s1+$0x3800];
	_ =	sdelay $0x4  }
0x142: {  	v5 =	vsub.f32 v5, v6;
	_ =	sdelay $0x1  }
0x143: {  	v7 =	vld [tilespmem:s1+$0x1800];
	v5 =	vmul.f32 $3.678794500e-01, v5  }
0x144: {  	v9 =	vld [tilespmem:s1+$0x800]  }
0x145: {  	v11 =	vld [tilespmem:s1+$0x2000];
	v10 =	vmul.f32 $-5.000000000e-01, v5  }
0x146: {  	v6 =	vld [tilespmem:s1+$0x0]  }
0x147: {  	v12 =	vld [tilespmem:s1+$0x1000];
	v5 =	vmul.f32 v10, v5  }
0x148: {  	v10 =	vld [tilespmem:s1+$0x2800]  }
0x149: {  	v5 =	vmul.f32 $1.442695020e+00, v5  }
0x14a: {  	(erf) = vrcp.f32 v8  }
0x14b: {  	v6 =	vsub.f32 v6, v7;
	v7 =	vsub.f32 v9, v11;
	(erf) = vpow2.f32 v5  }
0x14c: {  	s20 =	simm.s32 $0x10  }
0x14d: {  	v8 =	vld [tilespmem:s20+$0x3800];
	v6 =	vmul.f32 v6, v6;
	v7 =	vmul.f32 v7, v7;
	v9 =	vsub.f32 v12, v10  }
0x14e: {  	v5 =	vld [tilespmem:s20+$0x3000]  }
0x14f: {  	v6 =	vadd.f32 v7, v6;
	v9 =	vmul.f32 v9, v9;
	_ =	sdelay $0x1  }
0x150: {  	v6 =	vadd.f32 v9, v6;
	_ =	sdelay $0x1  }
0x151: {  	v13 =	vld [tilespmem:s20+$0x800];
	v7 =	vsub.f32 v5, v8;
	v5 =	vpop (erf);
	v9 =	vmul.f32 v6, v2  }
0x152: {  	v15 =	vld [tilespmem:s20+$0x2000];
	v11 =	vpop (erf)  }
0x153: {  	v10 =	vld [tilespmem:s20+$0x0];
	v7 =	vmul.f32 $3.678794500e-01, v7;
	v9 =	vsub.f32 $1.000000000e+00, v9;
	v11 =	vmul.f32 $1.467626690e-01, v11  }
0x154: {  	v12 =	vld [tilespmem:s20+$0x1800]  }
0x155: {  	v8 =	vld [tilespmem:s20+$0x1000];
	v14 =	vmul.f32 $-5.000000000e-01, v7;
	v9 =	vmul.f32 v11, v9  }
0x156: {  	vm1 =	vlt.f32 v6, v1;
	v11 =	vld [tilespmem:s20+$0x2800]  }
0x157: {  	v7 =	vmul.f32 v14, v7;
	v6 =	vnsel vm1, $0x0, v9  }
0x158: {  	v6 =	vmul.f32 v6, v5  }
0x159: {  	v7 =	vmul.f32 $1.442695020e+00, v7  }
0x15a: {  	s25 =	simm.s32 $0x20;
	v9 =	vsub.f32 v10, v12;
	v10 =	vsub.f32 v13, v15;
	v6 =	vmax.f32 v6, $1.000000000e-30  }
0x15b: {  	(erf) = vpow2.f32 v7;
	v7 =	vld [tilespmem:s25+$0x3000];
	v8 =	vsub.f32 v8, v11;
	v11 =	vadd.s32 $0x4AFB0D, v6  }
0x15c: {  	v6 =	vld [tilespmem:s25+$0x3800];
	v12 =	vand.u32 $0x7FFFFF, v11  }
0x15d: {  	v9 =	vmul.f32 v9, v9;
	v10 =	vmul.f32 v10, v10;
	v12 =	vadd.s32 $0x3F3504F3, v12  }
0x15e: {  	v13 =	vadd.f32 $-1.000000000e+00, v12  }
0x15f: {  	v9 =	vadd.f32 v10, v9;
	v8 =	vmul.f32 v8, v8  }
0x160: {  	v10 =	vadd.f32 $2.000000000e+00, v13  }
0x161: {  	v8 =	vadd.f32 v8, v9;
	v6 =	vsub.f32 v7, v6;
	_ =	sdelay $0x1  }
0x162: {  	v7 =	vmul.f32 v8, v2;
	v6 =	vmul.f32 $3.678794500e-01, v6  }
0x163: {  	(erf) = vrcp.f32 v10;
	v10 =	vpop (erf)  }
0x164: {  	v16 =	vld [tilespmem:s25+$0x800];
	v7 =	vsub.f32 $1.000000000e+00, v7;
	v15 =	vmul.f32 $-5.000000000e-01, v6;
	v10 =	vmul.f32 $1.467626690e-01, v10  }
0x165: {  	v14 =	vld [tilespmem:s25+$0x1800]  }
0x166: {  	v9 =	vld [tilespmem:s25+$0x1000];
	v6 =	vmul.f32 v15, v6;
	v7 =	vmul.f32 v10, v7  }
0x167: {  	v12 =	vld [tilespmem:s25+$0x0];
	vm2 =	vlt.f32 v8, v1  }
0x168: {  	v10 =	vld [tilespmem:s25+$0x2000];
	v6 =	vmul.f32 $1.442695020e+00, v6;
	v7 =	vnsel vm2, $0x0, v7  }
0x169: {  	s19 =	simm.s32 $0x30;
	v15 =	vld [tilespmem:s25+$0x2800];
	v7 =	vmul.f32 v7, v5  }
0x16a: {  	v17 =	vld [tilespmem:s19+$0x3000]  }
0x16b: {  	v18 =	vld [tilespmem:s19+$0x3800];
	v7 =	vmax.f32 v7, $1.000000000e-30  }
0x16c: {  	v12 =	vsub.f32 v12, v14;
	(erf) = vpow2.f32 v6;
	v6 =	vpop (erf);
	v8 =	vadd.s32 $0x4AFB0D, v7  }
0x16d: {  	v10 =	vsub.f32 v16, v10;
	v14 =	vmul.f32 v6, v13;
	v7 =	vand.u32 $0x7FFFFF, v8  }
0x16e: {  	v6 =	vsub.f32 v9, v15;
	v9 =	vmul.f32 v12, v12;
	v7 =	vadd.s32 $0x3F3504F3, v7  }
0x16f: {  	v10 =	vmul.f32 v10, v10;
	v12 =	vmul.f32 v14, v14;
	v7 =	vadd.f32 $-1.000000000e+00, v7  }
0x170: {  	v19 =	vld [tilespmem:s19+$0x2800];
	v15 =	vsub.f32 v17, v18;
	v17 =	vmul.f32 v6, v6  }
0x171: {  	v22 =	vld [tilespmem:s19+$0x1800];
	v9 =	vadd.f32 v10, v9;
	v18 =	vmul.f32 v12, v12;
	v20 =	vadd.f32 $2.000000000e+00, v7  }
0x172: {  	v23 =	vld [tilespmem:s19+$0x800];
	v28 =	vmul.f32 $5.000000000e-01, v13;
	v10 =	vmul.f32 $3.678794500e-01, v15  }
0x173: {  	v16 =	vld [tilespmem:s19+$0x1000];
	v9 =	vadd.f32 v17, v9;
	v21 =	vmul.f32 $2.427907880e-01, v18;
	v17 =	vmul.f32 $2.849878670e-01, v18  }
0x174: {  	v25 =	vld [tilespmem:s19+$0x2000];
	vm1 =	vmmov vm1;
	v24 =	vmul.f32 $-5.000000000e-01, v10;
	(erf) = vrcp.f32 v20  }
0x175: {  	s1 =	simm.s32 $0x40;
	v15 =	vld [tilespmem:s19+$0x0];
	v26 =	vmul.f32 v9, v2;
	v21 =	vadd.f32 $4.000097220e-01, v21;
	v17 =	vadd.f32 $6.666666270e-01, v17;
	v20 =	vpop (erf)  }
0x176: {  	v27 =	vld [tilespmem:s1+$0x3000];
	vm3 =	vmmov vm1;
	v10 =	vmul.f32 v24, v10;
	v20 =	vmul.f32 $1.467626690e-01, v20  }
0x177: {  	v29 =	vld [tilespmem:s1+$0x3800];
	v26 =	vsub.f32 $1.000000000e+00, v26;
	v18 =	vmul.f32 v21, v18;
	v12 =	vmul.f32 v17, v12  }
0x178: {  	vm1 =	vlt.f32 v9, v1;
	v9 =	vmul.f32 $1.442695020e+00, v10;
	v21 =	vsub.f32 v16, v19  }
0x179: {  	v17 =	vmul.f32 v28, v13;
	v16 =	vmul.f32 v20, v26;
	v12 =	vadd.f32 v18, v12  }
0x17a: {  	vm2 =	vmmov vm2;
	v6 =	vimm.f32 $0.0e+00;
	v15 =	vsub.f32 v15, v22  }
0x17b: {  	v19 =	vsub.f32 v23, v25;
	v10 =	vnsel vm1, $0x0, v16;
	v12 =	vadd.f32 v12, v17  }
0x17c: {  	(erf) = vpow2.f32 v9;
	v18 =	vsub.f32 v27, v29;
	v10 =	vmul.f32 v10, v5  }
0x17d: {  	v16 =	vmul.f32 v15, v15;
	v15 =	vshra.s32 v11, $0x17;
	v9 =	vpop (erf);
	v12 =	vmul.f32 v12, v14  }
0x17e: {  	v10 =	vmax.f32 v10, $1.000000000e-30;
	v11 =	vmul.f32 v9, v7;
	v9 =	vadd.s32 $0xFFFFFF81, v15  }
0x17f: {  	v10 =	vadd.s32 $0x4AFB0D, v10;
	v14 =	vsub.f32 v12, v17;
	v9 =	vcvt.s32.f32 v9  }
0x180: {  	v19 =	vmul.f32 v19, v19;
	v15 =	vand.u32 $0x7FFFFF, v10;
	v12 =	vmul.f32 v11, v11  }
0x181: {  	v15 =	vadd.s32 $0x3F3504F3, v15;
	v13 =	vadd.f32 v14, v13;
	v14 =	vmul.f32 $6.931471820e-01, v9  }
0x182: {  	s19 =	simm.s32 $0x140;
	v20 =	vmul.f32 v21, v21;
	v17 =	vld [tilespmem:s1+$0x1000];
	v9 =	vadd.f32 $-1.000000000e+00, v15;
	v15 =	vmul.f32 v12, v12  }
.LBB2_8:
0x183: {  	p2 =	sne.s32 s19, $0x1FC0;
	v21 =	vld [tilespmem:s1+$0x2800];
	v18 =	vmul.f32 $3.678794500e-01, v18;
	v16 =	vadd.f32 v19, v16;
	v13 =	vadd.f32 v13, v14  }
0x184: {  	v23 =	vsel vm3, $0x3F800000, v0;
	v14 =	vld [tilespmem:s1+$0x0];
	v19 =	vadd.f32 $2.000000000e+00, v9;
	v22 =	vmul.f32 $2.427907880e-01, v15  }
0x185: {  	v24 =	vld [tilespmem:s1+$0x1800];
	v16 =	vadd.f32 v20, v16;
	v20 =	vmul.f32 $2.849878670e-01, v15;
	v13 =	vmul.f32 v13, v23  }
0x186: {  	v25 =	vmul.f32 $-5.000000000e-01, v18;
	v23 =	vld [tilespmem:s1+$0x800];
	v26 =	vpop (erf);
	(erf) = vrcp.f32 v19;
	v19 =	vadd.f32 $4.000097220e-01, v22  }
0x187: {  	v22 =	vld [tilespmem:s1+$0x2000];
	s1 =	sshra.s32 s19, $0x2;
	v27 =	vmul.f32 v16, v2;
	v20 =	vadd.f32 $6.666666270e-01, v20;
	v6 =	vadd.f32 v13, v6  }
0x188: {  	v28 =	vmul.f32 $5.000000000e-01, v7;
	vm3 =	vmmov vm2;
	v26 =	vmul.f32 $1.467626690e-01, v26;
	v13 =	vld [tilespmem:s1+$0x3000]  }
0x189: {  	v15 =	vmul.f32 v19, v15;
	v29 =	vld [tilespmem:s1+$0x3800];
	v27 =	vsub.f32 $1.000000000e+00, v27;
	v12 =	vmul.f32 v20, v12  }
0x18a: {  	vm2 =	vmmov vm1;
	v20 =	vsub.f32 v17, v21;
	v17 =	vmul.f32 v25, v18  }
0x18b: {  	v18 =	vmul.f32 v26, v27;
	v12 =	vadd.f32 v15, v12;
	v15 =	vmul.f32 v28, v7  }
0x18c: {  	vm1 =	vlt.f32 v16, v1;
	v24 =	vsub.f32 v14, v24;
	v19 =	vsub.f32 v23, v22  }
0x18d: {  	v17 =	vmul.f32 $1.442695020e+00, v17;
	v21 =	vnsel vm1, $0x0, v18;
	v12 =	vadd.f32 v12, v15  }
0x18e: {  	v16 =	vmul.f32 v24, v24;
	v18 =	vsub.f32 v13, v29;
	v13 =	vmul.f32 v21, v5  }
0x18f: {  	(erf) = vpow2.f32 v17;
	v14 =	vpop (erf);
	v17 =	vshra.s32 v8, $0x17;
	v12 =	vmul.f32 v12, v11  }
.Ltmp6:
0x190: {  	v8 =	vmovc v10;
	v13 =	vmax.f32 v13, $1.000000000e-30;
	v11 =	vmul.f32 v14, v9;
	v14 =	vadd.s32 $0xFFFFFF81, v17;
	(pc) =	sbr.rel @p2 .LBB2_8-.Ltmp6, $4  }
0x191: {  	v10 =	vadd.s32 $0x4AFB0D, v13;
	v13 =	vsub.f32 v12, v15;
	v14 =	vcvt.s32.f32 v14  }
0x192: {  	v19 =	vmul.f32 v19, v19;
	v15 =	vand.u32 $0x7FFFFF, v10;
	v12 =	vmul.f32 v11, v11  }
0x193: {  	v15 =	vadd.s32 $0x3F3504F3, v15;
	v13 =	vadd.f32 v13, v7;
	v14 =	vmul.f32 $6.931471820e-01, v14;
	v7 =	vmovc v9  }
0x194: {  	s19 =	sadd.s32 $0x40, s19;
	v20 =	vmul.f32 v20, v20;
	v17 =	vld [tilespmem:s1+$0x1000];
	v9 =	vadd.f32 $-1.000000000e+00, v15;
	v15 =	vmul.f32 v12, v12  }
0x195: {  	v18 =	vmul.f32 $3.678794500e-01, v18;
	v21 =	vld [tilespmem:s1+$0x0]  }
0x196: {  	v22 =	vld [tilespmem:s1+$0x1800]  }
0x197: {  	v23 =	vld [tilespmem:s1+$0x800];
	v24 =	vmul.f32 $-5.000000000e-01, v18  }
0x198: {  	v25 =	vld [tilespmem:s1+$0x2000]  }
0x199: {  	v18 =	vmul.f32 v24, v18  }
0x19a: {  	v57 =	vld [tilespmem:s1+$0x2800];
	v26 =	vadd.f32 $2.000000000e+00, v9  }
0x19b: {  	v18 =	vmul.f32 $1.442695020e+00, v18  }
0x19c: {  	(erf) = vrcp.f32 v26  }
0x19d: {  	v21 =	vsub.f32 v21, v22;
	v58 =	vsub.f32 v23, v25;
	(erf) = vpow2.f32 v18  }
0x19e: {  	v16 =	vadd.f32 v19, v16  }
0x19f: {  	v17 =	vsub.f32 v17, v57;
	v59 =	vmul.f32 v21, v21;
	v60 =	vmul.f32 v58, v58  }
0x1a0: {  	v16 =	vadd.f32 v20, v16  }
0x1a1: {  	v17 =	vmul.f32 v17, v17;
	v18 =	vadd.f32 v60, v59  }
0x1a2: {  	v61 =	vmul.f32 v16, v2  }
0x1a3: {  	v62 =	vpop (erf);
	v17 =	vadd.f32 v17, v18  }
0x1a4: {  	v63 =	vmul.f32 $1.467626690e-01, v62;
	v19 =	vsub.f32 $1.000000000e+00, v61  }
0x1a5: {  	v24 =	vpop (erf);
	v2 =	vmul.f32 v17, v2  }
0x1a6: {  	v18 =	vmul.f32 v63, v19;
	v25 =	vpop (erf)  }
0x1a7: {  	vm5 =	vlt.f32 v16, v1;
	v2 =	vsub.f32 $1.000000000e+00, v2;
	v26 =	vmul.f32 $1.467626690e-01, v25  }
0x1a8: {  	v18 =	vnsel vm5, $0x0, v18  }
0x1a9: {  	v18 =	vmul.f32 v18, v5;
	v2 =	vmul.f32 v26, v2  }
0x1aa: {  	vm4 =	vlt.f32 v17, v1  }
0x1ab: {  	v1 =	vmax.f32 v18, $1.000000000e-30;
	v2 =	vnsel vm4, $0x0, v2  }
0x1ac: {  	v27 =	vmul.f32 $2.427907880e-01, v15;
	v1 =	vadd.s32 $0x4AFB0D, v1;
	v2 =	vmul.f32 v2, v5  }
0x1ad: {  	v28 =	vand.u32 $0x7FFFFF, v1  }
0x1ae: {  	v16 =	vadd.f32 $4.000097220e-01, v27;
	v17 =	vadd.s32 $0x3F3504F3, v28;
	v2 =	vmax.f32 v2, $1.000000000e-30  }
0x1af: {  	v17 =	vadd.f32 $-1.000000000e+00, v17;
	v2 =	vadd.s32 $0x4AFB0D, v2  }
0x1b0: {  	v30 =	vmul.f32 v16, v15;
	v31 =	vand.u32 $0x7FFFFF, v2  }
0x1b1: {  	v32 =	vadd.f32 $2.000000000e+00, v17;
	v5 =	vmul.f32 $2.849878670e-01, v15;
	v16 =	vadd.s32 $0x3F3504F3, v31  }
0x1b2: {  	v16 =	vadd.f32 $-1.000000000e+00, v16  }
0x1b3: {  	(erf) = vrcp.f32 v32;
	v5 =	vadd.f32 $6.666666270e-01, v5  }
0x1b4: {  	v34 =	vadd.f32 $2.000000000e+00, v16  }
0x1b5: {  	v29 =	vmul.f32 $5.000000000e-01, v7;
	v5 =	vmul.f32 v5, v12  }
0x1b6: {  	(erf) = vrcp.f32 v34  }
0x1b7: {  	v33 =	vmul.f32 v29, v7;
	v5 =	vadd.f32 v30, v5  }
0x1b8: {  	v8 =	vshra.s32 v8, $0x17  }
0x1b9: {  	v38 =	vsel vm3, $0x3F800000, v0;
	v13 =	vadd.f32 v13, v14;
	v5 =	vadd.f32 v5, v33  }
0x1ba: {  	vm2 =	vmmov vm2;
	vm1 =	vmmov vm1;
	v35 =	vmul.f32 v24, v9  }
0x1bb: {  	v10 =	vshra.s32 v10, $0x17;
	v8 =	vadd.s32 $0xFFFFFF81, v8;
	v5 =	vmul.f32 v5, v11  }
0x1bc: {  	v40 =	vsel vm2, $0x3F800000, v0;
	v44 =	vmul.f32 $5.000000000e-01, v9;
	v36 =	vmul.f32 v35, v35;
	v39 =	vpop (erf)  }
0x1bd: {  	v8 =	vcvt.s32.f32 v8;
	v14 =	vmul.f32 v39, v17;
	v5 =	vsub.f32 v5, v33  }
0x1be: {  	v10 =	vadd.s32 $0xFFFFFF81, v10;
	v13 =	vmul.f32 v13, v38;
	v37 =	vmul.f32 v36, v36  }
0x1bf: {  	v42 =	vmul.f32 v14, v14;
	v5 =	vadd.f32 v5, v7;
	v7 =	vmul.f32 $6.931471820e-01, v8;
	v43 =	vpop (erf)  }
0x1c0: {  	vm1 =	vmmov vm1;
	v41 =	vmul.f32 $2.849878670e-01, v37;
	v19 =	vmul.f32 v43, v16  }
0x1c1: {  	v45 =	vmul.f32 v42, v42;
	v5 =	vadd.f32 v5, v7;
	v7 =	vmul.f32 $2.427907880e-01, v37  }
0x1c2: {  	v49 =	vmul.f32 v44, v9;
	v6 =	vadd.f32 v13, v6;
	v46 =	vmul.f32 v19, v19  }
0x1c3: {  	v15 =	vadd.f32 $6.666666270e-01, v41;
	v47 =	vmul.f32 $2.427907880e-01, v45;
	v7 =	vadd.f32 $4.000097220e-01, v7  }
0x1c4: {  	v1 =	vshra.s32 v1, $0x17;
	v48 =	vmul.f32 $2.849878670e-01, v45;
	v50 =	vmul.f32 v46, v46  }
0x1c5: {  	v12 =	vmul.f32 v15, v36;
	v15 =	vadd.f32 $4.000097220e-01, v47;
	v7 =	vmul.f32 v7, v37  }
0x1c6: {  	v21 =	vadd.f32 $6.666666270e-01, v48;
	v52 =	vmul.f32 $2.427907880e-01, v50;
	v53 =	vmul.f32 $2.849878670e-01, v50  }
0x1c7: {  	v51 =	vmul.f32 $5.000000000e-01, v17;
	v8 =	vmul.f32 v15, v45;
	v7 =	vadd.f32 v7, v12  }
0x1c8: {  	v54 =	vmul.f32 v21, v42;
	v55 =	vadd.f32 $4.000097220e-01, v52;
	v56 =	vadd.f32 $6.666666270e-01, v53  }
0x1c9: {  	v57 =	vmul.f32 v51, v17;
	v58 =	vmul.f32 $5.000000000e-01, v16;
	v7 =	vadd.f32 v7, v49  }
0x1ca: {  	v8 =	vadd.f32 v8, v54;
	v11 =	vmul.f32 v55, v50;
	v13 =	vmul.f32 v56, v46  }
0x1cb: {  	v10 =	vcvt.s32.f32 v10;
	v1 =	vadd.s32 $0xFFFFFF81, v1;
	v7 =	vmul.f32 v7, v35  }
0x1cc: {  	v59 =	vmul.f32 v58, v16;
	v8 =	vadd.f32 v8, v57;
	v11 =	vadd.f32 v11, v13  }
0x1cd: {  	vm2 =	vmmov vm5;
	v1 =	vcvt.s32.f32 v1;
	v7 =	vsub.f32 v7, v49  }
0x1ce: {  	v60 =	vmul.f32 $6.931471820e-01, v10;
	v8 =	vmul.f32 v8, v14;
	v61 =	vadd.f32 v11, v59  }
0x1cf: {  	v63 =	vsel vm1, $0x3F800000, v0;
	v1 =	vmul.f32 $6.931471820e-01, v1;
	v7 =	vadd.f32 v7, v9  }
0x1d0: {  	v2 =	vshra.s32 v2, $0x17;
	v8 =	vsub.f32 v8, v57;
	v62 =	vmul.f32 v61, v19  }
0x1d1: {  	v2 =	vadd.s32 $0xFFFFFF81, v2;
	v5 =	vmul.f32 v5, v40;
	v7 =	vadd.f32 v7, v60  }
0x1d2: {  	v2 =	vcvt.s32.f32 v2;
	v8 =	vadd.f32 v8, v17;
	v9 =	vsub.f32 v62, v59  }
0x1d3: {  	vm1 =	vmmov vm2;
	v5 =	vadd.f32 v5, v6;
	v6 =	vmul.f32 v7, v63  }
0x1d4: {  	v2 =	vmul.f32 $6.931471820e-01, v2;
	v1 =	vadd.f32 v8, v1;
	v7 =	vadd.f32 v9, v16  }
0x1d5: {  	vm2 =	vmmov vm4;
	v5 =	vadd.f32 v6, v5;
	v6 =	vsel vm1, $0x3F800000, v0  }
0x1d6: {  	vm1 =	vmmov vm2;
	v1 =	vmul.f32 v1, v6;
	v2 =	vadd.f32 v7, v2  }
0x1d7: {  	v6 =	vsel vm1, $0x3F800000, v0  }
0x1d8: {  	v1 =	vadd.f32 v1, v5;
	v2 =	vmul.f32 v2, v6;
	_ =	sdelay $0x1  }
0x1d9: {  	v1 =	vadd.f32 v2, v1;
	_ =	sdelay $0x1  }
0x1da: {  	(xrf2) =	vadd.scan.msk.f32 $0xffff, v1;
	_ =	sdelay $0x9  }
0x1db: {  	v1, _, _ =	vpop (xrf2)  }
0x1dc: {  	(v2sf) =	vpush v1, $0xF;
	_ =	sdelay $0xe  }
0x1dd: {  	s1 =	spop (v2sf)  }
.LBB2_10:
0x1de: {  	v1 =	vbroadcast v3, $0xF  }
0x1df: {  	v2 =	vbroadcast v4, $0xF  }
0x1e0: {  	v1 =	vnsel vm0, $0x0, v1  }
0x1e1: {  	[tilespmem:$0x4080] =	vst v1;
	v1 =	vnsel vm0, $0x0, v2;
	v2 =	vmov s1  }
0x1e2: {  	[tilespmem:$0x4100] =	vst v1;
	v1 =	vnsel vm0, $0x0, v2  }
0x1e3: {  	s25 =	sadd.s32 s12, s2;
	[tilespmem:$0x4180] =	vst v1  }
0x1e4: {  	[hbm4b:s25+s3] =	stream.linear.scatter [tilespmem:s14], [sflag:$0x2], $0x80, $0x38;
	[tilespmem:$0x4E80] =	vst v63  }
0x1e5: {  	_ =	swait.ge [sflag:s16], $0x80  }
0x1e6: {  	[sflag:s16] =	ssyncset.done $0x0  }
0x1e7: {  	[sflag:s16] =	ssyncadd.s32 $0xFFFFFF80  }
0x1e8: {  	[hbm4b:s21+s3] =	stream.linear.scatter [tilespmem:s17], [sflag:$0x2], $0x80, $0x38;
	[tilespmem:$0x4E80] =	vst v63  }
0x1e9: {  	_ =	swait.ge [sflag:s16], $0x80  }
0x1ea: {  	[sflag:s16] =	ssyncset.done $0x0  }
0x1eb: {  	[sflag:s16] =	ssyncadd.s32 $0xFFFFFF80  }
0x1ec: {  	[hbm4b:s22+s3] =	stream.linear.scatter [tilespmem:s23], [sflag:$0x2], $0x80, $0x38;
	[tilespmem:$0x4E80] =	vst v63  }
.Ltmp7:
0x1ed: {  	_ =	swait.ge [sflag:s16], $0x80;
	(pc) =	sbr.rel @p0 .LBB2_12-.Ltmp7, $3  }
0x1ee: {  	[sflag:s16] =	ssyncset.done $0x0  }
0x1ef: {  	[sflag:s16] =	ssyncadd.s32 $0xFFFFFF80  }
0x1f0: {  	[bflag:$0x0] =	sbarrier.arrive $0xFFFF;
	_ =	sdelay $0x1  }
0x1f1: {  	s1 =	sadd.s32 s13, s2;
	s19 =	simm.s32 $0x4200  }
0x1f2: {  	[tilespmem:s19], [sflag:$0x1] =	stream.linear.gather [hbm4b:s1+s3], $0x400, $0x38;
	[tilespmem:$0x4E80] =	vst v63  }
0x1f3: {  	s20 =	rddreg [dreg:$0xc];
	s25 =	simm.s32 $0x4600  }
0x1f4: {  	[tilespmem:s25], [sflag:$0x1] =	stream.linear.gather [hbm4b:s20+s3], $0x400, $0x38;
	[tilespmem:$0x4E80] =	vst v63  }
0x1f5: {  	s20 =	rddreg [dreg:$0xd];
	s25 =	simm.s32 $0x4A00  }
0x1f6: {  	[tilespmem:s25], [sflag:$0x1] =	stream.linear.gather [hbm4b:s20+s3], $0x400, $0x38;
	[tilespmem:$0x4E80] =	vst v63  }
0x1f7: {  	_ =	swait.ge [sflag:s0], $0x400  }
0x1f8: {  	[sflag:s0] =	ssyncset.done $0x0  }
0x1f9: {  	[sflag:s0] =	ssyncadd.s32 $0xFFFFFC00  }
0x1fa: {  	_ =	swait.ge [sflag:s0], $0x400  }
0x1fb: {  	[sflag:s0] =	ssyncset.done $0x0  }
0x1fc: {  	[sflag:s0] =	ssyncadd.s32 $0xFFFFFC00  }
0x1fd: {  	_ =	swait.ge [sflag:s0], $0x400  }
0x1fe: {  	[sflag:s0] =	ssyncset.done $0x0  }
0x1ff: {  	[sflag:s0] =	ssyncadd.s32 $0xFFFFFC00  }
0x200: {  	v1 =	vld [tilespmem:$0x4200];
	_ =	sdelay $0x1  }
0x201: {  	v2 =	vld [tilespmem:$0x4280];
	_ =	sdelay $0x1  }
0x202: {  	v3 =	vld [tilespmem:$0x4300]  }
0x203: {  	v1 =	vadd.f32 $0.0e+00, v1  }
0x204: {  	v4 =	vld [tilespmem:$0x4380]  }
0x205: {  	v1 =	vadd.f32 v2, v1  }
0x206: {  	v2 =	vld [tilespmem:$0x4400]  }
0x207: {  	v1 =	vadd.f32 v3, v1  }
0x208: {  	v3 =	vld [tilespmem:$0x4480]  }
0x209: {  	v1 =	vadd.f32 v4, v1  }
0x20a: {  	v59 =	vld [tilespmem:$0x4500]  }
0x20b: {  	v1 =	vadd.f32 v2, v1  }
0x20c: {  	v2 =	vld [tilespmem:$0x4580]  }
0x20d: {  	v1 =	vadd.f32 v3, v1;
	_ =	sdelay $0x1  }
0x20e: {  	v1 =	vadd.f32 v59, v1;
	_ =	sdelay $0x1  }
0x20f: {  	v1 =	vadd.f32 v2, v1;
	_ =	sdelay $0x1  }
0x210: {  	s19 =	rddreg [dreg:$0x9];
	[tilespmem:$0x4E00] =	vst v1  }
0x211: {  	[hbm4b:s19+s3] =	stream.linear.scatter [tilespmem:s15], [sflag:$0x2], $0x8, $0x38;
	[tilespmem:$0x4E80] =	vst v63  }
0x212: {  	_ =	swait.ge [sflag:s16], $0x8  }
0x213: {  	[sflag:s16] =	ssyncset.done $0x0  }
0x214: {  	[sflag:s16] =	ssyncadd.s32 $0xFFFFFFF8  }
0x215: {  	v1 =	vld [tilespmem:$0x4600];
	_ =	sdelay $0x1  }
0x216: {  	v2 =	vld [tilespmem:$0x4680];
	_ =	sdelay $0x1  }
0x217: {  	v3 =	vld [tilespmem:$0x4700]  }
0x218: {  	v1 =	vadd.f32 $0.0e+00, v1  }
0x219: {  	v60 =	vld [tilespmem:$0x4780]  }
0x21a: {  	v1 =	vadd.f32 v2, v1  }
0x21b: {  	v2 =	vld [tilespmem:$0x4800]  }
0x21c: {  	v1 =	vadd.f32 v3, v1  }
0x21d: {  	v3 =	vld [tilespmem:$0x4880]  }
0x21e: {  	v1 =	vadd.f32 v60, v1  }
0x21f: {  	v61 =	vld [tilespmem:$0x4900]  }
0x220: {  	v1 =	vadd.f32 v2, v1  }
0x221: {  	v2 =	vld [tilespmem:$0x4980]  }
0x222: {  	v1 =	vadd.f32 v3, v1;
	_ =	sdelay $0x1  }
0x223: {  	v1 =	vadd.f32 v61, v1;
	_ =	sdelay $0x1  }
0x224: {  	v1 =	vadd.f32 v2, v1;
	_ =	sdelay $0x1  }
0x225: {  	s20 =	rddreg [dreg:$0xa];
	[tilespmem:$0x4E00] =	vst v1  }
0x226: {  	[hbm4b:s20+s3] =	stream.linear.scatter [tilespmem:s15], [sflag:$0x2], $0x8, $0x38;
	[tilespmem:$0x4E80] =	vst v63  }
0x227: {  	_ =	swait.ge [sflag:s16], $0x8  }
0x228: {  	[sflag:s16] =	ssyncset.done $0x0  }
0x229: {  	[sflag:s16] =	ssyncadd.s32 $0xFFFFFFF8  }
0x22a: {  	v1 =	vld [tilespmem:$0x4A00];
	_ =	sdelay $0x1  }
0x22b: {  	v2 =	vld [tilespmem:$0x4A80];
	_ =	sdelay $0x1  }
0x22c: {  	v3 =	vld [tilespmem:$0x4B00]  }
0x22d: {  	v1 =	vadd.f32 $0.0e+00, v1  }
0x22e: {  	v62 =	vld [tilespmem:$0x4B80]  }
0x22f: {  	v1 =	vadd.f32 v2, v1  }
0x230: {  	v2 =	vld [tilespmem:$0x4C00]  }
0x231: {  	v1 =	vadd.f32 v3, v1  }
0x232: {  	v3 =	vld [tilespmem:$0x4C80]  }
0x233: {  	v1 =	vadd.f32 v62, v1  }
0x234: {  	v63 =	vld [tilespmem:$0x4D00]  }
0x235: {  	v1 =	vadd.f32 v2, v1  }
0x236: {  	v2 =	vld [tilespmem:$0x4D80]  }
0x237: {  	v1 =	vadd.f32 v3, v1;
	_ =	sdelay $0x1  }
0x238: {  	v1 =	vadd.f32 v63, v1;
	_ =	sdelay $0x1  }
0x239: {  	v1 =	vadd.f32 v2, v1;
	_ =	sdelay $0x1  }
.Ltmp8:
0x23a: {  	s25 =	rddreg [dreg:$0xb];
	[tilespmem:$0x4E00] =	vst v1;
	(pc) =	sbr.rel .LBB2_12-.Ltmp8, $4  }
0x23b: {  	[hbm4b:s25+s3] =	stream.linear.scatter [tilespmem:s15], [sflag:$0x2], $0x8, $0x38;
	[tilespmem:$0x4E80] =	vst v63  }
0x23c: {  	_ =	swait.ge [sflag:s16], $0x8  }
0x23d: {  	[sflag:s16] =	ssyncset.done $0x0  }
0x23e: {  	[sflag:s16] =	ssyncadd.s32 $0xFFFFFFF8  }
.LBB2_13:
0x23f: {  	_ =	sfence.sel $0x180000  }
0x240: {  	[bflag:$0x0] =	sbarrier.arrive $0xFFFF  }
0x241: {  	_ =	strace $0x90000047  }
0x242: {  	[bflag:$0x2] =	sbarrier.arrive $0xFFFF  }
0x243: {  	s0 =	rddreg [dreg:$0x8]  }
0x244: {  	s0 =	sadd.s32 @!p0 $0x100000, s0  }
0x245: {  	[sflag:s0] =	ssyncadd.tile.s32 @!p0 $0x1;
	_ =	shalt  }
.Lfunc_end2:
_tile_overlayer_lowered:
.L_overlay_start_2:
0x246: {  	(tag) =	ssettag $0x2  }
0x247: {  	s0 =	rddreg [dreg:$0x0];
	s2 =	stileid.u32  }
0x248: {  	s1 =	rddreg [dreg:$0x1];
	p0 =	sne.s32 s2, $0x0  }
0x249: {  	s3 =	rddreg [dreg:$0x2];
	[bflag:$0x3] =	sbarrier.arrive $0xFFFF;
	s2 =	simm.s32 @!p0 $0x1C02  }
0x24a: {  	[timem:s3], [sflag:s2] =	dma.local @!p0 [hbm:s0], s1  }
0x24b: {  	s0 =	simm.s32 @!p0 $0x2  }
0x24c: {  	_ =	swait.ge @!p0 [sflag:s0], s1  }
0x24d: {  	s1 =	ssub.s32 @!p0 $0x0, s1;
	[sflag:s0] =	ssyncset.done @!p0 $0x0  }
0x24e: {  	[sflag:s0] =	ssyncadd.s32 @!p0 s1  }
0x24f: {  	[bflag:$0x3] =	sbarrier.arrive $0xFFFF  }
0x250: {  	_ =	shalt  }

</sc_bundles>
